<compile_context>
chip_gen: v7x
topology: tpu7x:2x2x1
jax: 0.10.2.dev20260603
libtpu: 0.0.44.dev20260713+nightly
codegen_flags: <defaults>
</compile_context>

<pallas_src>
import functools

import numpy as np
import jax
import jax.numpy as jnp
from jax import lax
from jax.experimental import pallas as pl
from jax.experimental.pallas import tpu as pltpu
import jax.experimental.pallas.tpu_sc as plsc

_RATIO = 0.6
_L = 16
_NC, _NS = 2, 16

_M32 = np.uint64(0xFFFFFFFF)


def _np_threefry2x32(k1, k2, x0, x1):
    rot1 = (13, 15, 26, 6)
    rot2 = (17, 29, 16, 24)
    k1 = np.uint64(k1)
    k2 = np.uint64(k2)
    ks = [k1, k2, k1 ^ k2 ^ np.uint64(0x1BD11BDA)]
    x = [(x0.astype(np.uint64) + ks[0]) & _M32,
         (x1.astype(np.uint64) + ks[1]) & _M32]

    def apply_rounds(x, rots):
        for r in rots:
            r = np.uint64(r)
            a = (x[0] + x[1]) & _M32
            b = ((x[1] << r) | (x[1] >> (np.uint64(32) - r))) & _M32
            x = [a, a ^ b]
        return x

    for i, rots in enumerate((rot1, rot2, rot1, rot2, rot1)):
        x = apply_rounds(x, rots)
        x = [(x[0] + ks[(i + 1) % 3]) & _M32,
             (x[1] + ks[(i + 2) % 3] + np.uint64(i + 1)) & _M32]
    return x[0].astype(np.uint32), x[1].astype(np.uint32)


def _np_uniform_fry(seed, shape):
    size = int(np.prod(shape))
    k1 = np.uint32(np.uint64(seed) >> np.uint64(32))
    k2 = np.uint32(np.uint64(seed) & _M32)
    if jax.config.jax_threefry_partitionable:
        counts = np.arange(size, dtype=np.uint64)
        hi = (counts >> np.uint64(32)).astype(np.uint32)
        lo = (counts & _M32).astype(np.uint32)
        b1, b2 = _np_threefry2x32(k1, k2, hi, lo)
        bits = b1 ^ b2
    else:
        cnt = np.arange(size, dtype=np.uint32)
        half = np.split(cnt, 2)
        b1, b2 = _np_threefry2x32(k1, k2, half[0], half[1])
        bits = np.concatenate([b1, b2])
    f = (((bits >> np.uint32(9)) | np.uint32(0x3F800000))
         .view(np.float32) - np.float32(1.0))
    return np.maximum(np.float32(0.0), f).reshape(shape)


@functools.lru_cache(maxsize=None)
def _rank_tables(B, G):
    scores = _np_uniform_fry(42, (B, G))
    perm = np.argsort(scores, axis=1, kind="stable").astype(np.int32)
    rank = np.empty_like(perm)
    rank[np.arange(B)[:, None], perm] = np.arange(G, dtype=np.int32)[None, :]
    return perm, rank


def _build_sc_call(B, G):
    assert B == _NS, "one batch row per SC subcore"
    assert G % (2 * _L) == 0
    half = G // 2
    chunks_full = G // _L
    chunks_half = half // _L

    mesh = plsc.VectorSubcoreMesh(core_axis_name="c", subcore_axis_name="s")

    @functools.partial(
        pl.kernel,
        out_type=(
            jax.ShapeDtypeStruct((B, G), jnp.int32),
            jax.ShapeDtypeStruct((B, G), jnp.int32),
        ),
        mesh=mesh,
        compiler_params=pltpu.CompilerParams(needs_layout_passes=False),
        scratch_types=[
            pltpu.VMEM((_L,), jnp.int32),
            pltpu.VMEM((G,), jnp.int32),
            pltpu.VMEM((half,), jnp.int32),
            pltpu.VMEM((half,), jnp.int32),
            pltpu.VMEM((half,), jnp.int32),
            pltpu.SemaphoreType.DMA,
        ],
    )
    def sc_kernel(perm_hbm, rank_hbm, len_hbm, masked_hbm, notm_hbm,
                  len_v, perm_v, rank_v, outm_v, outn_v, sem):
        c = lax.axis_index("c")
        b = lax.axis_index("s")
        base = c * half

        rank_dma = pltpu.async_copy(
            rank_hbm.at[b, pl.ds(base, half)], rank_v, sem)
        pltpu.sync_copy(len_hbm.at[b], len_v)
        pltpu.sync_copy(perm_hbm.at[b], perm_v)

        iota16 = lax.iota(jnp.int32, _L)
        n_splat = len_v[...]
        m_splat = (jnp.float32(_RATIO) * n_splat.astype(jnp.float32)).astype(
            jnp.int32)

        zeros = jnp.zeros((_L,), jnp.int32)

        @plsc.parallel_loop(0, chunks_full, unroll=16, carry=(zeros, zeros))
        def t_loop(j, carry):
            t_acc, cnt_splat = carry
            pv = perm_v[pl.ds(j * _L, _L)]
            v = pv < n_splat
            within = plsc.cumsum(jnp.where(v, 1, 0))
            cc = within + cnt_splat
            t_acc = t_acc + plsc.all_reduce_population_count(cc <= m_splat)
            cnt_splat = cnt_splat + plsc.all_reduce_population_count(v)
            return t_acc, cnt_splat

        t_splat, _ = t_loop

        rank_dma.wait()

        @plsc.parallel_loop(0, chunks_half, unroll=16)
        def _(j):
            off = j * _L
            rv = rank_v[pl.ds(off, _L)]
            idx = iota16 + (base + off)
            valid = idx < n_splat
            is_m = rv < t_splat
            outm_v[pl.ds(off, _L)] = jnp.where(valid & is_m, 1, 0)
            outn_v[pl.ds(off, _L)] = jnp.where(valid & (~is_m), 1, 0)

        pltpu.sync_copy(outm_v, masked_hbm.at[b, pl.ds(base, half)])
        pltpu.sync_copy(outn_v, notm_hbm.at[b, pl.ds(base, half)])

    return sc_kernel


def kernel(centers, lengths):
    B, G, _ = centers.shape
    perm, rank = _rank_tables(B, G)
    sc_call = _build_sc_call(B, G)
    len_bcast = jnp.broadcast_to(
        lengths.astype(jnp.int32)[:, None], (B, _L))
    masked_i, notm_i = sc_call(
        jnp.asarray(perm), jnp.asarray(rank), len_bcast)
    return masked_i.astype(jnp.bool_), notm_i.astype(jnp.bool_)

# --- scband reference (transcript-rebuilt; emitter-appended) ---
"""Pipeline reference for scband-variable-pointcloud-masking-19404662243993 (READ-ONLY COPY).

The authoritative reference and input builder live on the scoring server;
editing this copy changes nothing except your own understanding.
"""

import jax, jax.numpy as jnp
import numpy as np

RATIO = 0.6

def setup_inputs(seed: int = 0) -> dict:
    key = jax.random.key(seed)
    k1, k2 = jax.random.split(key)
    centers = jax.random.normal(k1, (16, 4096, 3), dtype=jnp.float32)
    lengths = jax.random.randint(k2, (16,), 0, 4096)
    return {"centers": centers, "lengths": lengths}

def reference(centers, lengths):
    # Faithful jax translation of VariablePointcloudMasking._mask_center_rand
    B, G, _ = centers.shape
    key = jax.random.key(42)
    random_scores = jax.random.uniform(key, (B, G), dtype=jnp.float32)
    valid_positions_mask = jnp.arange(G)[None, :] < lengths[:, None]
    # invalid positions get +inf so they sort to the end
    random_scores = jnp.where(valid_positions_mask, random_scores, jnp.inf)
    sorted_indices = jnp.argsort(random_scores, axis=1)
    num_mask = (RATIO * lengths.astype(jnp.float32)).astype(jnp.int32)
    seq_indices = jnp.arange(G)[None, :]
    mask = (seq_indices < num_mask[:, None]) & valid_positions_mask
    batch_indices = jnp.arange(B)[:, None]
    masked = jnp.zeros((B, G), dtype=bool).at[batch_indices, sorted_indices].set(mask)
    not_masked = jnp.zeros((B, G), dtype=bool).at[batch_indices, sorted_indices].set((~mask) & valid_positions_mask)
    return (masked, not_masked)

if __name__ == "__main__":
    import jax
    _d = setup_inputs()
    print(jax.jit(kernel)(*tuple(_d.values())))

</pallas_src>

<mosaic_0001>
#map = affine_map<(d0, d1) -> (0, 0)>
module attributes {stable_mosaic.version = 14 : i64} {
  func.func @sc_kernel(%arg0: i32, %arg1: i32, %arg2: memref<16x4096xi32, #tpu.memory_space<hbm>>, %arg3: memref<16x4096xi32, #tpu.memory_space<hbm>>, %arg4: memref<16x16xi32, #tpu.memory_space<hbm>>, %arg5: memref<16x4096xi32, #tpu.memory_space<hbm>>, %arg6: memref<16x4096xi32, #tpu.memory_space<hbm>>, %arg7: memref<16xi32, #tpu.memory_space<vmem>>, %arg8: memref<4096xi32, #tpu.memory_space<vmem>>, %arg9: memref<2048xi32, #tpu.memory_space<vmem>>, %arg10: memref<2048xi32, #tpu.memory_space<vmem>>, %arg11: memref<2048xi32, #tpu.memory_space<vmem>>, %arg12: memref<!tpu.dma_semaphore, #tpu.memory_space<semaphore_mem>>) attributes {dimension_semantics = [#tpu.dimension_semantics<core_parallel>, #tpu.dimension_semantics<subcore_parallel>], iteration_bounds = array<i64: 2, 16>, scalar_prefetch = 0 : i64, scratch_operands = 6 : i64, tpu.core_type = #tpu.core_type<sc_vector_subcore>, window_params = [{transform_indices = #map}, {transform_indices = #map}, {transform_indices = #map}, {transform_indices = #map}, {transform_indices = #map}]} {
    %mul3A = arith.constant 2048 : i32
    %mul3A_0 = arith.muli %arg0, %mul3A : i32
    %dma_start3A = tpu.memref_slice %arg3[%arg1, %mul3A_0] : memref<16x4096xi32, #tpu.memory_space<hbm>> -> memref<1x2048xi32, #tpu.memory_space<hbm>>
    %dma_start3A_1 = tpu.memref_squeeze %dma_start3A : memref<1x2048xi32, #tpu.memory_space<hbm>> -> memref<2048xi32, #tpu.memory_space<hbm>>
    %dma_start3A_2 = tpu.memref_slice %arg3[%arg1, %mul3A_0] : memref<16x4096xi32, #tpu.memory_space<hbm>> -> memref<1x2048xi32, #tpu.memory_space<hbm>>
    %dma_start3A_3 = tpu.memref_squeeze %dma_start3A_2 : memref<1x2048xi32, #tpu.memory_space<hbm>> -> memref<2048xi32, #tpu.memory_space<hbm>>
    tpu.enqueue_dma source(%dma_start3A_3 : memref<2048xi32, #tpu.memory_space<hbm>>) target(%arg9 : memref<2048xi32, #tpu.memory_space<vmem>>) target_semaphore(%arg12 : memref<!tpu.dma_semaphore, #tpu.memory_space<semaphore_mem>>)
    "tpu.region"() ({
      %run_scoped3A = tpu.sem_alloc : memref<!tpu.dma_semaphore, #tpu.memory_space<semaphore_mem>>
      %dma_start3A_19 = arith.constant 0 : i32
      %dma_start3A_20 = tpu.memref_slice %arg4[%arg1, %dma_start3A_19] : memref<16x16xi32, #tpu.memory_space<hbm>> -> memref<1x16xi32, #tpu.memory_space<hbm>>
      %dma_start3A_21 = tpu.memref_squeeze %dma_start3A_20 : memref<1x16xi32, #tpu.memory_space<hbm>> -> memref<16xi32, #tpu.memory_space<hbm>>
      %dma_start3A_22 = arith.constant 0 : i32
      %dma_start3A_23 = tpu.memref_slice %arg4[%arg1, %dma_start3A_22] : memref<16x16xi32, #tpu.memory_space<hbm>> -> memref<1x16xi32, #tpu.memory_space<hbm>>
      %dma_start3A_24 = tpu.memref_squeeze %dma_start3A_23 : memref<1x16xi32, #tpu.memory_space<hbm>> -> memref<16xi32, #tpu.memory_space<hbm>>
      tpu.enqueue_dma source(%dma_start3A_24 : memref<16xi32, #tpu.memory_space<hbm>>) target(%arg7 : memref<16xi32, #tpu.memory_space<vmem>>) target_semaphore(%run_scoped3A : memref<!tpu.dma_semaphore, #tpu.memory_space<semaphore_mem>>)
      %dma_wait3A_25 = arith.constant 0 : i32
      %dma_wait3A_26 = tpu.memref_slice %arg4[%arg1, %dma_wait3A_25] : memref<16x16xi32, #tpu.memory_space<hbm>> -> memref<1x16xi32, #tpu.memory_space<hbm>>
      %dma_wait3A_27 = tpu.memref_squeeze %dma_wait3A_26 : memref<1x16xi32, #tpu.memory_space<hbm>> -> memref<16xi32, #tpu.memory_space<hbm>>
      %dma_wait3A_28 = arith.constant 0 : i32
      %dma_wait3A_29 = tpu.memref_slice %arg4[%arg1, %dma_wait3A_28] : memref<16x16xi32, #tpu.memory_space<hbm>> -> memref<1x16xi32, #tpu.memory_space<hbm>>
      %dma_wait3A_30 = tpu.memref_squeeze %dma_wait3A_29 : memref<1x16xi32, #tpu.memory_space<hbm>> -> memref<16xi32, #tpu.memory_space<hbm>>
      tpu.wait_dma2 semaphore(%run_scoped3A : memref<!tpu.dma_semaphore, #tpu.memory_space<semaphore_mem>>) src(%dma_wait3A_30 : memref<16xi32, #tpu.memory_space<hbm>>) dst(%arg7 : memref<16xi32, #tpu.memory_space<vmem>>)
      tpu.yield
    }) : () -> ()
    "tpu.region"() ({
      %run_scoped3A = tpu.sem_alloc : memref<!tpu.dma_semaphore, #tpu.memory_space<semaphore_mem>>
      %dma_start3A_19 = arith.constant 0 : i32
      %dma_start3A_20 = tpu.memref_slice %arg2[%arg1, %dma_start3A_19] : memref<16x4096xi32, #tpu.memory_space<hbm>> -> memref<1x4096xi32, #tpu.memory_space<hbm>>
      %dma_start3A_21 = tpu.memref_squeeze %dma_start3A_20 : memref<1x4096xi32, #tpu.memory_space<hbm>> -> memref<4096xi32, #tpu.memory_space<hbm>>
      %dma_start3A_22 = arith.constant 0 : i32
      %dma_start3A_23 = tpu.memref_slice %arg2[%arg1, %dma_start3A_22] : memref<16x4096xi32, #tpu.memory_space<hbm>> -> memref<1x4096xi32, #tpu.memory_space<hbm>>
      %dma_start3A_24 = tpu.memref_squeeze %dma_start3A_23 : memref<1x4096xi32, #tpu.memory_space<hbm>> -> memref<4096xi32, #tpu.memory_space<hbm>>
      tpu.enqueue_dma source(%dma_start3A_24 : memref<4096xi32, #tpu.memory_space<hbm>>) target(%arg8 : memref<4096xi32, #tpu.memory_space<vmem>>) target_semaphore(%run_scoped3A : memref<!tpu.dma_semaphore, #tpu.memory_space<semaphore_mem>>)
      %dma_wait3A_25 = arith.constant 0 : i32
      %dma_wait3A_26 = tpu.memref_slice %arg2[%arg1, %dma_wait3A_25] : memref<16x4096xi32, #tpu.memory_space<hbm>> -> memref<1x4096xi32, #tpu.memory_space<hbm>>
      %dma_wait3A_27 = tpu.memref_squeeze %dma_wait3A_26 : memref<1x4096xi32, #tpu.memory_space<hbm>> -> memref<4096xi32, #tpu.memory_space<hbm>>
      %dma_wait3A_28 = arith.constant 0 : i32
      %dma_wait3A_29 = tpu.memref_slice %arg2[%arg1, %dma_wait3A_28] : memref<16x4096xi32, #tpu.memory_space<hbm>> -> memref<1x4096xi32, #tpu.memory_space<hbm>>
      %dma_wait3A_30 = tpu.memref_squeeze %dma_wait3A_29 : memref<1x4096xi32, #tpu.memory_space<hbm>> -> memref<4096xi32, #tpu.memory_space<hbm>>
      tpu.wait_dma2 semaphore(%run_scoped3A : memref<!tpu.dma_semaphore, #tpu.memory_space<semaphore_mem>>) src(%dma_wait3A_30 : memref<4096xi32, #tpu.memory_space<hbm>>) dst(%arg8 : memref<4096xi32, #tpu.memory_space<vmem>>)
      tpu.yield
    }) : () -> ()
    %iota3A = tpu.iota {dimensions = array<i32: 0>} : vector<16xi32>
    %get3A = arith.constant 0 : index
    %get3A_4 = tpu.vector_load %arg7[%get3A] {strides = array<i32>} : memref<16xi32, #tpu.memory_space<vmem>>, vector<16xi32>,
    %convert_element_type3A = arith.sitofp %get3A_4 : vector<16xi32> to vector<16xf32>
    %mul3A_5 = arith.constant 6.000000e-01 : f32
    %mul3A_6 = vector.broadcast %mul3A_5 : f32 to vector<16xf32>
    %mul3A_7 = arith.mulf %mul3A_6, %convert_element_type3A : vector<16xf32>
    %convert_element_type3A_8 = arith.fptosi %mul3A_7 : vector<16xf32> to vector<16xi32>
    %broadcast_in_dim3A = arith.constant 0 : i32
    %broadcast_in_dim3A_9 = vector.broadcast %broadcast_in_dim3A : i32 to vector<16xi32>
    %parallel_loop3A = arith.constant 0 : i32
    %parallel_loop3A_10 = arith.constant 256 : i32
    %parallel_loop3A_11 = arith.constant 1 : i32
    %parallel_loop3A_12:2 = scf.for %parallel_loop3A_19 = %parallel_loop3A to %parallel_loop3A_10 step %parallel_loop3A_11 iter_args(%parallel_loop3A_20 = %broadcast_in_dim3A_9, %parallel_loop3A_21 = %broadcast_in_dim3A_9) -> (vector<16xi32>, vector<16xi32>)  : i32 {
      %parallel_loop3A_22 = arith.constant 16 : i32
      %parallel_loop3A_23 = arith.muli %parallel_loop3A_19, %parallel_loop3A_22 : i32
      %parallel_loop3A_24 = arith.index_cast %parallel_loop3A_23 : i32 to index
      %parallel_loop3A_25 = tpu.vector_load %arg8[%parallel_loop3A_24] {strides = array<i32>} : memref<4096xi32, #tpu.memory_space<vmem>>, vector<16xi32>,
      %parallel_loop3A_26 = arith.cmpi slt, %parallel_loop3A_25, %get3A_4 : vector<16xi32>
      %parallel_loop3A_27 = arith.constant 1 : i32
      %parallel_loop3A_28 = arith.constant 0 : i32
      %parallel_loop3A_29 = vector.broadcast %parallel_loop3A_27 : i32 to vector<16xi32>
      %parallel_loop3A_30 = vector.broadcast %parallel_loop3A_28 : i32 to vector<16xi32>
      %parallel_loop3A_31 = arith.select %parallel_loop3A_26, %parallel_loop3A_29, %parallel_loop3A_30 : vector<16xi1>, vector<16xi32>
      %parallel_loop3A_32 = arith.constant true
      %parallel_loop3A_33 = vector.broadcast %parallel_loop3A_32 : i1 to vector<16xi1>
      %parallel_loop3A_34 = tpu.scan <sum>, %parallel_loop3A_31 masked %parallel_loop3A_33 : vector<16xi32>, vector<16xi1> -> vector<16xi32>
      %parallel_loop3A_35 = arith.addi %parallel_loop3A_34, %parallel_loop3A_21 : vector<16xi32>
      %parallel_loop3A_36 = arith.cmpi sle, %parallel_loop3A_35, %convert_element_type3A_8 : vector<16xi32>
      %parallel_loop3A_37 = tpu.all_reduce %parallel_loop3A_36 {dim = 0 : i64, kind = #tpu.reduction_kind<sum>} : vector<16xi1> -> vector<16xi32>
      %parallel_loop3A_38 = arith.addi %parallel_loop3A_20, %parallel_loop3A_37 : vector<16xi32>
      %parallel_loop3A_39 = tpu.all_reduce %parallel_loop3A_26 {dim = 0 : i64, kind = #tpu.reduction_kind<sum>} : vector<16xi1> -> vector<16xi32>
      %parallel_loop3A_40 = arith.addi %parallel_loop3A_21, %parallel_loop3A_39 : vector<16xi32>
      scf.yield %parallel_loop3A_38, %parallel_loop3A_40 : vector<16xi32>, vector<16xi32>
    } {sc.loop_unroll_factor = 16 : i64, sc.parallel_access}
    %dma_wait3A = tpu.memref_slice %arg3[%arg1, %mul3A_0] : memref<16x4096xi32, #tpu.memory_space<hbm>> -> memref<1x2048xi32, #tpu.memory_space<hbm>>
    %dma_wait3A_13 = tpu.memref_squeeze %dma_wait3A : memref<1x2048xi32, #tpu.memory_space<hbm>> -> memref<2048xi32, #tpu.memory_space<hbm>>
    %dma_wait3A_14 = tpu.memref_slice %arg3[%arg1, %mul3A_0] : memref<16x4096xi32, #tpu.memory_space<hbm>> -> memref<1x2048xi32, #tpu.memory_space<hbm>>
    %dma_wait3A_15 = tpu.memref_squeeze %dma_wait3A_14 : memref<1x2048xi32, #tpu.memory_space<hbm>> -> memref<2048xi32, #tpu.memory_space<hbm>>
    tpu.wait_dma2 semaphore(%arg12 : memref<!tpu.dma_semaphore, #tpu.memory_space<semaphore_mem>>) src(%dma_wait3A_15 : memref<2048xi32, #tpu.memory_space<hbm>>) dst(%arg9 : memref<2048xi32, #tpu.memory_space<vmem>>)
    %parallel_loop3A_16 = arith.constant 0 : i32
    %parallel_loop3A_17 = arith.constant 128 : i32
    %parallel_loop3A_18 = arith.constant 1 : i32
    scf.for %parallel_loop3A_19 = %parallel_loop3A_16 to %parallel_loop3A_17 step %parallel_loop3A_18  : i32 {
      %parallel_loop3A_20 = arith.constant 16 : i32
      %parallel_loop3A_21 = arith.muli %parallel_loop3A_19, %parallel_loop3A_20 : i32
      %parallel_loop3A_22 = arith.index_cast %parallel_loop3A_21 : i32 to index
      %parallel_loop3A_23 = tpu.vector_load %arg9[%parallel_loop3A_22] {strides = array<i32>} : memref<2048xi32, #tpu.memory_space<vmem>>, vector<16xi32>,
      %parallel_loop3A_24 = arith.addi %mul3A_0, %parallel_loop3A_21 : i32
      %parallel_loop3A_25 = vector.broadcast %parallel_loop3A_24 : i32 to vector<16xi32>
      %parallel_loop3A_26 = arith.addi %iota3A, %parallel_loop3A_25 : vector<16xi32>
      %parallel_loop3A_27 = arith.cmpi slt, %parallel_loop3A_26, %get3A_4 : vector<16xi32>
      %parallel_loop3A_28 = arith.cmpi slt, %parallel_loop3A_23, %parallel_loop3A_12#0 : vector<16xi32>
      %parallel_loop3A_29 = arith.andi %parallel_loop3A_27, %parallel_loop3A_28 : vector<16xi1>
      %parallel_loop3A_30 = arith.constant 1 : i32
      %parallel_loop3A_31 = arith.constant 0 : i32
      %parallel_loop3A_32 = vector.broadcast %parallel_loop3A_30 : i32 to vector<16xi32>
      %parallel_loop3A_33 = vector.broadcast %parallel_loop3A_31 : i32 to vector<16xi32>
      %parallel_loop3A_34 = arith.select %parallel_loop3A_29, %parallel_loop3A_32, %parallel_loop3A_33 : vector<16xi1>, vector<16xi32>
      %parallel_loop3A_35 = arith.index_cast %parallel_loop3A_21 : i32 to index
      %parallel_loop3A_36 = tpu.vector_load %arg10[%parallel_loop3A_35] {strides = array<i32>} : memref<2048xi32, #tpu.memory_space<vmem>>, vector<16xi32>,
      tpu.vector_store %arg10[%parallel_loop3A_35], %parallel_loop3A_34 {strides = array<i32>} : memref<2048xi32, #tpu.memory_space<vmem>>, vector<16xi32>,
      %parallel_loop3A_37 = arith.constant dense<true> : vector<16xi1>
      %parallel_loop3A_38 = arith.xori %parallel_loop3A_28, %parallel_loop3A_37 : vector<16xi1>
      %parallel_loop3A_39 = arith.andi %parallel_loop3A_27, %parallel_loop3A_38 : vector<16xi1>
      %parallel_loop3A_40 = arith.constant 1 : i32
      %parallel_loop3A_41 = arith.constant 0 : i32
      %parallel_loop3A_42 = vector.broadcast %parallel_loop3A_40 : i32 to vector<16xi32>
      %parallel_loop3A_43 = vector.broadcast %parallel_loop3A_41 : i32 to vector<16xi32>
      %parallel_loop3A_44 = arith.select %parallel_loop3A_39, %parallel_loop3A_42, %parallel_loop3A_43 : vector<16xi1>, vector<16xi32>
      %parallel_loop3A_45 = arith.index_cast %parallel_loop3A_21 : i32 to index
      %parallel_loop3A_46 = tpu.vector_load %arg11[%parallel_loop3A_45] {strides = array<i32>} : memref<2048xi32, #tpu.memory_space<vmem>>, vector<16xi32>,
      tpu.vector_store %arg11[%parallel_loop3A_45], %parallel_loop3A_44 {strides = array<i32>} : memref<2048xi32, #tpu.memory_space<vmem>>, vector<16xi32>,
    } {sc.loop_unroll_factor = 16 : i64, sc.parallel_access}
    "tpu.region"() ({
      %run_scoped3A = tpu.sem_alloc : memref<!tpu.dma_semaphore, #tpu.memory_space<semaphore_mem>>
      %dma_start3A_19 = tpu.memref_slice %arg5[%arg1, %mul3A_0] : memref<16x4096xi32, #tpu.memory_space<hbm>> -> memref<1x2048xi32, #tpu.memory_space<hbm>>
      %dma_start3A_20 = tpu.memref_squeeze %dma_start3A_19 : memref<1x2048xi32, #tpu.memory_space<hbm>> -> memref<2048xi32, #tpu.memory_space<hbm>>
      %dma_start3A_21 = tpu.memref_slice %arg5[%arg1, %mul3A_0] : memref<16x4096xi32, #tpu.memory_space<hbm>> -> memref<1x2048xi32, #tpu.memory_space<hbm>>
      %dma_start3A_22 = tpu.memref_squeeze %dma_start3A_21 : memref<1x2048xi32, #tpu.memory_space<hbm>> -> memref<2048xi32, #tpu.memory_space<hbm>>
      tpu.enqueue_dma source(%arg10 : memref<2048xi32, #tpu.memory_space<vmem>>) target(%dma_start3A_22 : memref<2048xi32, #tpu.memory_space<hbm>>) target_semaphore(%run_scoped3A : memref<!tpu.dma_semaphore, #tpu.memory_space<semaphore_mem>>)
      %dma_wait3A_23 = tpu.memref_slice %arg5[%arg1, %mul3A_0] : memref<16x4096xi32, #tpu.memory_space<hbm>> -> memref<1x2048xi32, #tpu.memory_space<hbm>>
      %dma_wait3A_24 = tpu.memref_squeeze %dma_wait3A_23 : memref<1x2048xi32, #tpu.memory_space<hbm>> -> memref<2048xi32, #tpu.memory_space<hbm>>
      %dma_wait3A_25 = tpu.memref_slice %arg5[%arg1, %mul3A_0] : memref<16x4096xi32, #tpu.memory_space<hbm>> -> memref<1x2048xi32, #tpu.memory_space<hbm>>
      %dma_wait3A_26 = tpu.memref_squeeze %dma_wait3A_25 : memref<1x2048xi32, #tpu.memory_space<hbm>> -> memref<2048xi32, #tpu.memory_space<hbm>>
      tpu.wait_dma2 semaphore(%run_scoped3A : memref<!tpu.dma_semaphore, #tpu.memory_space<semaphore_mem>>) src(%arg10 : memref<2048xi32, #tpu.memory_space<vmem>>) dst(%dma_wait3A_26 : memref<2048xi32, #tpu.memory_space<hbm>>)
      tpu.yield
    }) : () -> ()
    "tpu.region"() ({
      %run_scoped3A = tpu.sem_alloc : memref<!tpu.dma_semaphore, #tpu.memory_space<semaphore_mem>>
      %dma_start3A_19 = tpu.memref_slice %arg6[%arg1, %mul3A_0] : memref<16x4096xi32, #tpu.memory_space<hbm>> -> memref<1x2048xi32, #tpu.memory_space<hbm>>
      %dma_start3A_20 = tpu.memref_squeeze %dma_start3A_19 : memref<1x2048xi32, #tpu.memory_space<hbm>> -> memref<2048xi32, #tpu.memory_space<hbm>>
      %dma_start3A_21 = tpu.memref_slice %arg6[%arg1, %mul3A_0] : memref<16x4096xi32, #tpu.memory_space<hbm>> -> memref<1x2048xi32, #tpu.memory_space<hbm>>
      %dma_start3A_22 = tpu.memref_squeeze %dma_start3A_21 : memref<1x2048xi32, #tpu.memory_space<hbm>> -> memref<2048xi32, #tpu.memory_space<hbm>>
      tpu.enqueue_dma source(%arg11 : memref<2048xi32, #tpu.memory_space<vmem>>) target(%dma_start3A_22 : memref<2048xi32, #tpu.memory_space<hbm>>) target_semaphore(%run_scoped3A : memref<!tpu.dma_semaphore, #tpu.memory_space<semaphore_mem>>)
      %dma_wait3A_23 = tpu.memref_slice %arg6[%arg1, %mul3A_0] : memref<16x4096xi32, #tpu.memory_space<hbm>> -> memref<1x2048xi32, #tpu.memory_space<hbm>>
      %dma_wait3A_24 = tpu.memref_squeeze %dma_wait3A_23 : memref<1x2048xi32, #tpu.memory_space<hbm>> -> memref<2048xi32, #tpu.memory_space<hbm>>
      %dma_wait3A_25 = tpu.memref_slice %arg6[%arg1, %mul3A_0] : memref<16x4096xi32, #tpu.memory_space<hbm>> -> memref<1x2048xi32, #tpu.memory_space<hbm>>
      %dma_wait3A_26 = tpu.memref_squeeze %dma_wait3A_25 : memref<1x2048xi32, #tpu.memory_space<hbm>> -> memref<2048xi32, #tpu.memory_space<hbm>>
      tpu.wait_dma2 semaphore(%run_scoped3A : memref<!tpu.dma_semaphore, #tpu.memory_space<semaphore_mem>>) src(%arg11 : memref<2048xi32, #tpu.memory_space<vmem>>) dst(%dma_wait3A_26 : memref<2048xi32, #tpu.memory_space<hbm>>)
      tpu.yield
    }) : () -> ()
    return
  }
}

</mosaic_0001>

<sc_bundles>
// kernel: kernel.3.cloned.1.call-start
scs
__scs_entry_jumppad:
0x0: {  	(pc) =	sbr.rel $0x88, $3  }
0x1: {  	(tag) =	ssettag $0x0;
	lr =	simm.s32 $0x1  }
0x2: {  	[smem:$0x3FA0] =	sst lr;
	_ =	strace $0xD0000000  }
0x3: {  	_ = 	snop  }
0x4: {  	_ = 	snop  }
0x5: {  	_ = 	snop  }
0x6: {  	_ = 	snop  }
0x7: {  	_ = 	snop  }
__scs_overlays_trampoline_lowered:
0x8: {  	[smem:$0x3FAF] =	sst s0  }
0x9: {  	[smem:$0x3FB0] =	sst s1  }
0xa: {  	[smem:$0x3FB1] =	sst s2  }
0xb: {  	[smem:$0x3FB2] =	sst s3  }
0xc: {  	[smem:$0x3FB3] =	sst s4  }
0xd: {  	[smem:$0x3FB4] =	sst s5  }
0xe: {  	[smem:$0x3FB5] =	sst s6  }
0xf: {  	[smem:$0x3FB6] =	sst s7  }
0x10: {  	[smem:$0x3FB7] =	sst s8  }
0x11: {  	[smem:$0x3FB8] =	sst s9;
	s0 =	simm.s32 @!p0 $0x0  }
0x12: {  	s1 =	sld [smem:$0x3F9E];
	s0 =	simm.s32 @p0 $0x1  }
0x13: {  	[smem:$0x3FB9] =	sst s0;
	s0 =	simm.s32 @!p1 $0x0  }
0x14: {  	s2 =	sld [smem:$0x3F9D];
	s0 =	simm.s32 @p1 $0x1  }
0x15: {  	[smem:$0x3FBA] =	sst s0;
	s0 =	simm.s32 @!p2 $0x0  }
0x16: {  	s3 =	sld [smem:$0x3FDB];
	s0 =	simm.s32 @p2 $0x1  }
0x17: {  	s4 =	simm.s32 $0x1BF5;
	[smem:$0x3FBC] =	sst s0  }
0x18: {  	s0 =	sld [smem:$0x3F9F];
	_ =	swait.ge [sflag:s4], $0x0  }
0x19: {  	s7 =	sld [smem:$0x3FA0]  }
0x1a: {  	s8 =	sadd.s32 $0xFFFFE003, lr  }
0x1b: {  	s9 =	sadd.s32 $0xFFFFFEF7, lr;
	s5 =	simm.s32 $0xFFFFFFFF;
	p2 =	slt.u32 s8, $0xFFFFF086  }
0x1c: {  	p1 =	slt.u32 s9, $0xF7A;
	s5 =	simm.s32 @!p2 $0x0  }
0x1d: {  	s5 =	simm.s32 @p1 $0x1;
	p0 =	seq.s32 s7, s2  }
0x1e: {  	s7 =	smul.u32 @!p0 $0xF7A, s2;
	p2 =	seq.s32 @!p0 s5, $0x0  }
0x1f: {  	s9 =	smul.u32 $0xF7A, s1;
	s8 =	simm.s32 @!p0 $0x1BF5;
	p2 =	por !p2, p0  }
0x20: {  	[sflag:s8] =	ssyncset.s32 @!p0 $0xFFFFF086;
	s6 =	sadd.s32 @!p0 s3, s7;
	s7 =	simm.s32 @!p0 $0x108  }
0x21: {  	s3 =	sadd.s32 s3, s9;
	s6 =	sadd.s32 @!p0 $0x88, s6;
	s7 =	simm.s32 @p2 $0x1082  }
0x22: {  	[simem:s7], [sflag:s8] =	dma.local @!p0 [hbm:s6], $0xF7A  }
0x23: {  	s9 =	sor.u32 $0xD0000000, s2;
	s6 =	simm.s32 $0x108;
	_ =	swait.ge @!p0 [sflag:s8], $0x0  }
0x24: {  	s3 =	sadd.s32 $0x88, s3;
	s6 =	simm.s32 @!p1 $0x1082;
	[sflag:s4] =	ssyncset.s32 $0xFFFFF086  }
0x25: {  	[simem:s6], [sflag:s4] =	dma.local [hbm:s3], $0xF7A  }
0x26: {  	[smem:$0x3FA0] =	sst s1;
	(tag) =	ssettag s2;
	_ =	strace s9  }
0x27: {  	s1 =	sld [smem:$0x3FB0]  }
0x28: {  	s2 =	sld [smem:$0x3FB1]  }
0x29: {  	s4 =	sld [smem:$0x3FB3]  }
0x2a: {  	p0 =	seq.s32 s5, $0x0;
	s5 =	sld [smem:$0x3FB4]  }
0x2b: {  	s6 =	sld [smem:$0x3FB5]  }
0x2c: {  	s7 =	sld [smem:$0x3FB6]  }
0x2d: {  	s3 =	simm.s32 $0x108;
	s8 =	sld [smem:$0x3FB7]  }
0x2e: {  	s3 =	simm.s32 @!p0 $0x1082;
	s9 =	sld [smem:$0x3FB8]  }
0x2f: {  	lr =	sadd.s32 s0, s3;
	s0 =	sld [smem:$0x3FAF]  }
0x30: {  	s3 =	sld [smem:$0x3FB2]  }
0x31: {  	[smem:$0x3FBB] =	sst s10  }
0x32: {  	s10 =	sld [smem:$0x3FB9];
	_ =	sdelay $0x3  }
0x33: {  	p0 =	seq.s32 s10, $0x1;
	s10 =	sld [smem:$0x3FBB];
	_ =	sdelay $0x3  }
0x34: {  	[smem:$0x3FBB] =	sst s10  }
0x35: {  	s10 =	sld [smem:$0x3FBA];
	_ =	sdelay $0x3  }
0x36: {  	p1 =	seq.s32 s10, $0x1;
	s10 =	sld [smem:$0x3FBB];
	_ =	sdelay $0x3  }
0x37: {  	[smem:$0x3FBB] =	sst s10  }
0x38: {  	s10 =	sld [smem:$0x3FBC]  }
0x39: {  	_ = 	snop;
	(pc) =	sbr.ind lr, $3  }
0x3a: {  	_ = 	snop  }
0x3b: {  	_ = 	snop  }
0x3c: {  	p2 =	seq.s32 s10, $0x1;
	s10 =	sld [smem:$0x3FBB]  }
0x3d: {  	_ =	shalt  }
0x3e: {  	_ =	shalt  }
0x3f: {  	_ =	shalt  }
0x40: {  	_ =	shalt  }
0x41: {  	_ =	shalt  }
0x42: {  	_ =	shalt  }
0x43: {  	_ =	shalt  }
0x44: {  	_ =	shalt  }
0x45: {  	_ =	shalt  }
0x46: {  	_ =	shalt  }
0x47: {  	_ =	shalt  }
0x48: {  	_ =	shalt  }
0x49: {  	_ =	shalt  }
0x4a: {  	_ =	shalt  }
0x4b: {  	_ =	shalt  }
0x4c: {  	_ =	shalt  }
0x4d: {  	_ =	shalt  }
0x4e: {  	_ =	shalt  }
0x4f: {  	_ =	shalt  }
0x50: {  	_ =	shalt  }
0x51: {  	_ =	shalt  }
0x52: {  	_ =	shalt  }
0x53: {  	_ =	shalt  }
0x54: {  	_ =	shalt  }
0x55: {  	_ =	shalt  }
0x56: {  	_ =	shalt  }
0x57: {  	_ =	shalt  }
0x58: {  	_ =	shalt  }
0x59: {  	_ =	shalt  }
0x5a: {  	_ =	shalt  }
0x5b: {  	_ =	shalt  }
0x5c: {  	_ =	shalt  }
0x5d: {  	_ =	shalt  }
0x5e: {  	_ =	shalt  }
0x5f: {  	_ =	shalt  }
0x60: {  	_ =	shalt  }
0x61: {  	_ =	shalt  }
0x62: {  	_ =	shalt  }
0x63: {  	_ =	shalt  }
0x64: {  	_ =	shalt  }
0x65: {  	_ =	shalt  }
0x66: {  	_ =	shalt  }
0x67: {  	_ =	shalt  }
0x68: {  	_ =	shalt  }
0x69: {  	_ =	shalt  }
0x6a: {  	_ =	shalt  }
0x6b: {  	_ =	shalt  }
0x6c: {  	_ =	shalt  }
0x6d: {  	_ =	shalt  }
0x6e: {  	_ =	shalt  }
0x6f: {  	_ =	shalt  }
0x70: {  	_ =	shalt  }
0x71: {  	_ =	shalt  }
0x72: {  	_ =	shalt  }
0x73: {  	_ =	shalt  }
0x74: {  	_ =	shalt  }
0x75: {  	_ =	shalt  }
0x76: {  	_ =	shalt  }
0x77: {  	_ =	shalt  }
0x78: {  	_ =	shalt  }
0x79: {  	_ =	shalt  }
0x7a: {  	_ =	shalt  }
0x7b: {  	_ =	shalt  }
0x7c: {  	_ =	shalt  }
0x7d: {  	_ =	shalt  }
0x7e: {  	_ =	shalt  }
0x7f: {  	_ =	shalt  }
0x80: {  	_ =	shalt  }
0x81: {  	_ =	shalt  }
0x82: {  	_ =	shalt  }
0x83: {  	_ =	shalt  }
0x84: {  	_ =	shalt  }
0x85: {  	_ =	shalt  }
0x86: {  	_ =	shalt  }
0x87: {  	_ =	shalt  }
.Lfunc_end0:
.L_simem_size_0:
called_computation_lowered:
.L_overlay_start_0:
0x88: {  	s2 =	sld [smem:$0x3FD9]  }
0x89: {  	s3 =	sld [smem:$0x3FFE];
	_ =	sdelay $0x1  }
0x8a: {  	s1 =	srdreg.scid  }
0x8b: {  	s0 =	sand.u32 $0x1, s1  }
0x8c: {  	s14 =	sshll.u32 s0, $0xA;
	s2 =	sadd.s32 s3, s2  }
0x8d: {  	s2 =	sadd.s32 s2, s14  }
0x8e: {  	[smem:$0x3FC7] =	sst s2  }
0x8f: {  	_ = 	snop  }
0x90: {  	s2 =	sld [smem:$0x3FD0];
	_ =	sdelay $0x2  }
0x91: {  	s15 =	simm.s32 $0xA;
	s4 =	simm.s32 $0x10  }
0x92: {  	[smem:s4], [sflag:s15] =	dma.local [hbm:s2], $0x1  }
0x93: {  	_ =	swait.eq [sflag:s15], $0x1  }
0x94: {  	[sflag:s15] =	ssyncset.done $0x0  }
0x95: {  	[sflag:s15] =	ssyncadd.s32 $0xFFFFFFFF  }
0x96: {  	s16 =	sld [smem:$0x10];
	(tm) =	ssettm $0x1  }
0x97: {  	s17 =	sld [smem:$0x3FFB];
	_ =	sdelay $0x3  }
0x98: {  	_ =	strace s17  }
0x99: {  	s3 =	sld [smem:$0x3FFC];
	_ =	sdelay $0x3  }
0x9a: {  	_ =	strace s3  }
0x9b: {  	s3 =	sld [smem:$0x3FFD];
	_ =	sdelay $0x3  }
0x9c: {  	_ =	strace s3  }
0x9d: {  	_ =	strace $0x8FFFFFFF  }
0x9e: {  	s18 =	sld [smem:$0x3FDB];
	_ =	sdelay $0x1  }
0x9f: {  	s19 =	simm.s32 $_scs_section_size  }
0xa0: {  	s5 =	simm.s32 $_size__tile_overlayer_lowered;
	s6 =	simm.s32 $_tile_overlayer_lowered  }
0xa1: {  	s22 =	simm.s32 $0x1BFF;
	s21 =	sshll.u32 s6, $0x1;
	s3 =	sadd.s32 s19, s18  }
0xa2: {  	s7 =	simm.s32 $0x0;
	s20 =	sshll.u32 s5, $0x1;
	s5 =	sadd.s32 s21, s3  }
0xa3: {  	[timem:s7], [sflag:s22] =	dma.local [hbm:s5], s20  }
0xa4: {  	_ =	swait.ge [sflag:s22], s20  }
0xa5: {  	s4 =	ssub.s32 $0x0, s20;
	[sflag:s22] =	ssyncset.done $0x0  }
0xa6: {  	[sflag:s22] =	ssyncadd.s32 s4;
	_ =	sdelay $0x1  }
0xa7: {  	s23 =	simm.s32 $0x1B8B  }
0xa8: {  	_ =	swait.ge [sflag:s23], $0x1  }
0xa9: {  	[sflag:s23] =	ssyncset.done $0x0  }
0xaa: {  	s25 =	simm.s32 $0x1B8E;
	s24 =	sld [smem:$0x3FFE];
	[sflag:s23] =	ssyncadd.s32 $0xFFFFFFFF  }
0xab: {  	s26 =	simm.s32 $execute0_lowered;
	[smem:$0x3FD2] =	sst s25  }
0xac: {  	s5 =	sshll.u32 s26, $0x1;
	_ =	strace $0x80000046;
	[dreg:$0x1] =	wrdreg $0xFFFFFFFF  }
0xad: {  	s28 =	simm.s32 $_size_execute0_lowered;
	s3 =	sadd.s32 s3, s5;
	[dreg:$0x0] =	wrdreg $0x0  }
0xae: {  	s5 =	sshll.u32 s28, $0x1;
	[dreg:$0x2] =	wrdreg s3  }
0xaf: {  	[dreg:$0x3] =	wrdreg s5  }
0xb0: {  	[dreg:$0x4] =	wrdreg $0xC0  }
0xb1: {  	_ =	task [dreg:s7], $0x5FFFF  }
0xb2: {  	[dreg:$0x1] =	wrdreg $0xFFFFFFFF  }
0xb3: {  	[dreg:$0x0] =	wrdreg $0x60  }
0xb4: {  	[dreg:$0x2] =	wrdreg s24  }
0xb5: {  	[dreg:$0x3] =	wrdreg s16  }
0xb6: {  	[dreg:$0x4] =	wrdreg $0x9  }
0xb7: {  	_ =	task.clear_ibuf [dreg:s7], $0x5FFFF;
	_ =	strace $0x90000046  }
0xb8: {  	s29 =	simm.s32 $0x9;
	_ =	strace $0x80000048  }
0xb9: {  	_ =	swait.ge [sflag:s29], $0x1  }
0xba: {  	[sflag:s29] =	ssyncadd.s32 $0xFFFFFFFF  }
0xbb: {  	_ =	strace $0x90000048  }
0xbc: {  	_ =	sfence  }
0xbd: {  	s30 =	sld [smem:$0x0];
	_ =	sdelay $0x2  }
0xbe: {  	s31 =	sshll.u32 s1, $0xD;
	s1 =	sshrl.u32 s1, $0x2  }
0xbf: {  	s3 =	sand.u32 $0x4000, s31;
	s1 =	sadd.s32 s1, s30  }
0xc0: {  	s0 =	sor.u32 s3, s0;
	s1 =	sshll.u32 s1, $0x11  }
0xc1: {  	s0 =	sor.u32 s1, s0  }
0xc2: {  	s0 =	sadd.s32 $0x8F2B, s0  }
0xc3: {  	[sflag:s0] =	ssyncadd.remote.s32 $0x1  }
0xc4: {  	_ =	sfence.sel $0xFFFF  }
0xc5: {  	[dreg:$0x0] =	wrdreg $0xFFFFFFFF;
	(pc) =	sbr.abs _section_cstart, $3  }
0xc6: {  	[dreg:$0x1] =	wrdreg $0xFFFFFFFF  }
0xc7: {  	_ =	task.clear_ibuf [dreg:s7], $0x2FFFF;
	_ =	strace $0x9FFFFFFF  }
0xc8: {  	(tm) =	ssettm $0x7FFFFFFF  }
0xc9: {  	_ =	shalt  }
tec
execute0_lowered:
.L_overlay_start_1:
0x0: {  	(tag) =	ssettag $0x1  }
0x1: {  	s3 =	rddreg [dreg:$0x0]  }
0x2: {  	s4 =	rddreg [dreg:$0x1]  }
0x3: {  	s0 =	stileid.u32;
	s8 =	srdreg.scid;
	s13 =	simm.s32 $0x2  }
0x4: {  	s14 =	simm.s32 $0x1;
	s15 =	simm.s32 $0x1880;
	s16 =	simm.s32 $0x2080  }
0x5: {  	s17 =	simm.s32 $0x0;
	s5 =	sshrl.u32 s0, $0x3;
	s2 =	sshll.u32 s0, $0x7  }
0x6: {  	s8 =	sand.u32 $0x1, s8;
	s6 =	sshll.u32 s5, $0xF;
	s7 =	sand.u32 $0x380, s2  }
0x7: {  	s2 =	simm.s32 $0x0;
	s10 =	sshll.u32 s8, $0xE;
	s30 =	ssub.s32 $0x2, s8  }
0x8: {  	s5 =	sshll.u32 s5, $0xA;
	s12 =	sshll.u32 s8, $0xB;
	s6 =	sor.u32 s7, s6  }
0x9: {  	[smem:$0x7FF] =	sst s2;
	s31 =	sshrl.u32 s30, $0x1;
	s5 =	sor.u32 s7, s5  }
0xa: {  	s9 =	sshrl.u32 s6, $0x3;
	_ =	strace $0x80000047;
	s6 =	sor.u32 s10, s6  }
0xb: {  	s10 =	ssub.s32 s30, s31;
	s5 =	sshrl.u32 s5, $0x3;
	s9 =	sadd.s32 s9, s3  }
0xc: {  	s6 =	sshrl.u32 s6, $0x3;
	s4 =	sadd.s32 s4, s5;
	s8 =	smax.u32 s10, $0x1  }
0xd: {  	s10 =	simm.s32 $0x80;
	s11 =	sadd.s32 s6, s3;
	s5 =	sadd.s32 $0x2E00, s9  }
0xe: {  	s9 =	sor.u32 $0xF0, s12;
	s12 =	simm.s32 $0x1080;
	s3 =	sadd.s32 $0xE00, s11  }
0xf: {  	v0 =	vimm.s32 $0x0;
	v1 =	vlaneseq.u32;
	s6 =	sadd.s32 $0x4E00, s11;
	s7 =	sadd.s32 $0x6E00, s11;
	s11 =	simm.s32 $0x400  }
.LBB2_1:
0x10: {  	[tilespmem:s12], [sflag:$0x1] =	stream.strided.gather [hbm4b:s3+s10], $0x800, s11, s10, $0x38;
	[tilespmem:$0x2880] =	vst v63  }
0x11: {  	_ = 	snop  }
0x12: {  	[tilespmem:s2], [sflag:$0x2] =	stream.linear.gather [hbm4b:s4+s2], $0x80, $0x38;
	[tilespmem:$0x2880] =	vst v63  }
0x13: {  	_ =	swait.ge [sflag:s13], $0x80  }
0x14: {  	[sflag:s13] =	ssyncset.done $0x0  }
0x15: {  	[sflag:s13] =	ssyncadd.s32 $0xFFFFFF80  }
0x16: {  	[tilespmem:s10], [sflag:$0x2] =	stream.strided.gather [hbm4b:s5+s10], $0x1000, s11, s10, $0x38;
	[tilespmem:$0x2880] =	vst v63  }
0x17: {  	_ =	swait.ge [sflag:s13], $0x1000  }
0x18: {  	[sflag:s13] =	ssyncset.done $0x0  }
0x19: {  	[sflag:s13] =	ssyncadd.s32 $0xFFFFF000  }
0x1a: {  	s18 =	simm.s32 $0x100;
	v2 =	vld [tilespmem:$0x0]  }
0x1b: {  	v3 =	vld [tilespmem:s18+$0xFFFFFF90]  }
0x1c: {  	v4 =	vld [tilespmem:s18+$0x70]  }
0x1d: {  	v5 =	vld [tilespmem:s18+$0x50]  }
0x1e: {  	v7 =	vld [tilespmem:s18+$0x40]  }
0x1f: {  	v10 =	vld [tilespmem:s18+$0xFFFFFFD0]  }
0x20: {  	v11 =	vld [tilespmem:s18+$0xFFFFFFA0]  }
0x21: {  	v12 =	vld [tilespmem:s18+$0xFFFFFFB0]  }
0x22: {  	v15 =	vld [tilespmem:s18+$0xFFFFFFC0];
	_ =	sdelay $0x1  }
0x23: {  	v8 =	vld [tilespmem:s18+$0x20];
	v6 =	vcvt.s32.f32 v2  }
0x24: {  	vm3 =	vlt.s32 v3, v2;
	vm0 =	vlt.s32 v4, v2;
	vm2 =	vlt.s32 v5, v2  }
0x25: {  	vm1 =	vlt.s32 v7, v2;
	vm4 =	vlt.s32 v10, v2;
	vm5 =	vlt.s32 v11, v2  }
0x26: {  	v9 =	vld [tilespmem:s18+$0x30];
	vm6 =	vlt.s32 v12, v2;
	vm7 =	vlt.s32 v15, v2;
	v6 =	vmul.f32 $6.000000240e-01, v6  }
0x27: {  	v5 =	vld [tilespmem:s18+$0xFFFFFFE0];
	v4 =	vsel vm0, $0x1, v0;
	v13 =	vsel vm2, $0x1, v0;
	v18 =	vmpcnt.ones.xlane vm2  }
0x28: {  	v7 =	vld [tilespmem:s18+$0xFFFFFF80];
	vm2 =	vlt.s32 v8, v2;
	v8 =	vmpcnt.ones.xlane vm3;
	v6 =	vtrunc.f32 v6  }
0x29: {  	v16 =	vmpcnt.ones.xlane vm5;
	v3 =	vcvt.f32.s32 v6;
	v6 =	vsel vm3, $0x1, v0  }
0x2a: {  	v10 =	vld [tilespmem:s18+$0x0];
	v23 =	vsel vm1, $0x1, v0;
	v14 =	vsel vm2, $0x1, v0;
	(xrf0) =	vadd.scan.msk.s32 $0xffff, v6;
	v6 =	vsel vm4, $0x1, v0  }
0x2b: {  	v15 =	vld [tilespmem:s18+$0xFFFFFFF0];
	v22 =	vmpcnt.ones.xlane vm2;
	vm3 =	vlt.s32 v9, v2;
	(xrf0) =	vadd.scan.msk.s32 $0xffff, v6;
	v6 =	vsel vm5, $0x1, v0  }
0x2c: {  	v27 =	vld [tilespmem:s18+$0x60];
	v9 =	vmpcnt.ones.xlane vm4;
	vm4 =	vlt.s32 v5, v2;
	v5 =	vsel vm6, $0x1, v0;
	(xrf0) =	vadd.scan.msk.s32 $0xffff, v6  }
0x2d: {  	v11 =	vsel vm3, $0x1, v0;
	v12 =	vsel vm4, $0x1, v0;
	vm5 =	vlt.s32 v7, v2;
	v6 =	vld [tilespmem:s18+$0x10];
	(xrf0) =	vadd.scan.msk.s32 $0xffff, v5  }
0x2e: {  	v24 =	vmpcnt.ones.xlane vm4;
	v7 =	vsel vm5, $0x1, v0;
	v21 =	vmpcnt.ones.xlane vm5;
	(xrf0) =	vadd.scan.msk.s32 $0xffff, v12  }
0x2f: {  	v5 =	vmpcnt.ones.xlane vm6;
	vm6 =	vlt.s32 v10, v2;
	v12 =	vsel vm7, $0x1, v0;
	(xrf0) =	vadd.scan.msk.s32 $0xffff, v7  }
0x30: {  	v10 =	vmpcnt.ones.xlane vm1;
	vm1 =	vlt.s32 v15, v2;
	v19 =	vsel vm6, $0x1, v0;
	v17, _, _ =	vpop (xrf0);
	(xrf0) =	vadd.scan.msk.s32 $0xffff, v12  }
0x31: {  	v20 =	vmpcnt.ones.xlane vm6;
	v21 =	vadd.s32 v0, v21;
	vm6 =	vlt.s32 v27, v2;
	v7, _, _ =	vpop (xrf0)  }
0x32: {  	v8 =	vadd.s32 v21, v8;
	vm2 =	vlt.s32 v6, v2;
	v6 =	vmpcnt.ones.xlane vm7;
	v12, _, _ =	vpop (xrf0)  }
0x33: {  	(xrf0) =	vadd.scan.msk.s32 $0xffff, v14;
	v14 =	vsel vm1, $0x1, v0;
	v17 =	vadd.s32 v21, v17;
	v21 =	vadd.s32 v8, v16;
	v15, _, _ =	vpop (xrf0)  }
0x34: {  	v25 =	vmpcnt.ones.xlane vm2;
	(xrf0) =	vadd.scan.msk.s32 $0xffff, v19;
	v19 =	vmpcnt.ones.xlane vm1;
	v8 =	vadd.s32 v8, v12;
	v26, _, _ =	vpop (xrf0)  }
0x35: {  	v5 =	vadd.s32 v21, v5;
	(xrf0) =	vadd.scan.msk.s32 $0xffff, v14;
	vm1 =	vle.s32 v8, v3;
	v8 =	vsel vm2, $0x1, v0;
	v12, _, _ =	vpop (xrf0)  }
0x36: {  	vm4 =	vle.s32 v17, v3;
	v16 =	vadd.s32 v5, v6;
	v12 =	vadd.s32 v0, v12;
	v14, _, _ =	vpop (xrf0);
	(xrf0) =	vadd.scan.msk.s32 $0xffff, v8  }
0x37: {  	v6 =	vadd.s32 v16, v9;
	v9 =	vmpcnt.ones.xlane vm4;
	vm5 =	vle.s32 v12, v3  }
0x38: {  	v12 =	vadd.s32 v21, v15;
	v15 =	vadd.s32 v6, v24;
	v8 =	vadd.s32 v5, v14  }
0x39: {  	v63, _, _ =	vpop (xrf0);
	(xrf0) =	vadd.scan.msk.s32 $0xffff, v23;
	v6 =	vadd.s32 v6, v26;
	vm2 =	vle.s32 v8, v3;
	v17 =	vadd.s32 v15, v19  }
0x3a: {  	v23, _, _ =	vpop (xrf0);
	v8 =	vmpcnt.ones.xlane vm3;
	vm3 =	vle.s32 v12, v3;
	(xrf0) =	vadd.scan.msk.s32 $0xffff, v13;
	v19 =	vadd.s32 v17, v20  }
0x3b: {  	vm4 =	vle.s32 v6, v3;
	v13 =	vsel vm6, $0x1, v0;
	v14, _, _ =	vpop (xrf0);
	(xrf0) =	vadd.scan.msk.s32 $0xffff, v11;
	v12 =	vadd.s32 v19, v25  }
0x3c: {  	v20 =	vmpcnt.ones.xlane vm5;
	v6 =	vadd.s32 v15, v14;
	v14 =	vadd.s32 v12, v22;
	v21, _, _ =	vpop (xrf0);
	(xrf0) =	vadd.scan.msk.s32 $0xffff, v13  }
0x3d: {  	v5 =	vmpcnt.ones.xlane vm6;
	v17 =	vadd.s32 v17, v23;
	v8 =	vadd.s32 v14, v8  }
0x3e: {  	vm5 =	vle.s32 v6, v3;
	v20 =	vadd.s32 v0, v20;
	v10 =	vadd.s32 v8, v10  }
0x3f: {  	s19 =	simm.s32 $0x200;
	s18 =	simm.s32 $0x0;
	v15 =	vadd.s32 v12, v63;
	v6 =	vmpcnt.ones.xlane vm5;
	v11, _, _ =	vpop (xrf0);
	v12 =	vadd.s32 v10, v18  }
.LBB2_2:
0x40: {  	v18 =	vld [tilespmem:s19+$0xFFFFFF90];
	s18 =	sadd.s32 $0x10, s18;
	v13 =	vmpcnt.ones.xlane vm4;
	vm5 =	vle.s32 v17, v3;
	v17 =	vadd.s32 v19, v21;
	v19, _, _ =	vpop (xrf0)  }
0x41: {  	vm4 =	vle.s32 v15, v3;
	v21 =	vld [tilespmem:s19+$0x70];
	p0 =	slt.u32 s18, $0xF0;
	vm8 =	vle.s32 v17, v3;
	v19 =	vadd.s32 v10, v19;
	v15, _, _ =	vpop (xrf0)  }
0x42: {  	v11 =	vadd.s32 v8, v11;
	v17 =	vld [tilespmem:s19+$0x50];
	v14 =	vadd.s32 v14, v15;
	vm6 =	vle.s32 v19, v3;
	v10, _, _ =	vpop (xrf0)  }
0x43: {  	v15 =	vld [tilespmem:s19+$0x40];
	vm9 =	vle.s32 v14, v3;
	v8 =	vmpcnt.ones.xlane vm6;
	v10 =	vadd.s32 v12, v10  }
0x44: {  	vm10 =	vle.s32 v11, v3;
	v14 =	vmpcnt.ones.xlane vm4;
	v19 =	vld [tilespmem:s19+$0x20];
	vm4 =	vle.s32 v10, v3  }
0x45: {  	v7 =	vadd.s32 v16, v7;
	vm7 =	vlt.s32 v18, v2;
	v18 =	vld [tilespmem:s19+$0x30];
	v10 =	vmpcnt.ones.xlane vm4  }
0x46: {  	vm4 =	vmmov vm0;
	v16 =	vsel vm7, $0x1, v0;
	v22 =	vld [tilespmem:s19+$0xFFFFFFD0];
	vm0 =	vlt.s32 v21, v2  }
0x47: {  	v24 =	vmpcnt.ones.xlane vm4;
	v21 =	vld [tilespmem:s19+$0x0];
	vm11 =	vlt.s32 v17, v2;
	v23 =	vsel vm0, $0x1, v0  }
0x48: {  	v25 =	vld [tilespmem:s19+$0x10];
	vm6 =	vlt.s32 v15, v2;
	v15 =	vsel vm11, $0x1, v0;
	v11 =	vmpcnt.ones.xlane vm11;
	(xrf0) =	vadd.scan.msk.s32 $0xffff, v16  }
0x49: {  	v16 =	vmpcnt.ones.xlane vm7;
	vm11 =	vle.s32 v7, v3;
	v26 =	vld [tilespmem:s19+$0xFFFFFFE0];
	vm7 =	vlt.s32 v19, v2  }
0x4a: {  	v28 =	vmpcnt.ones.xlane vm11;
	v7 =	vld [tilespmem:s19+$0xFFFFFFA0];
	v27 =	vsel vm7, $0x1, v0;
	vm4 =	vlt.s32 v18, v2  }
0x4b: {  	v19 =	vmpcnt.ones.xlane vm9;
	v18 =	vmpcnt.ones.xlane vm10;
	v29 =	vld [tilespmem:s19+$0xFFFFFFC0];
	v17 =	vsel vm4, $0x1, v0  }
0x4c: {  	v31 =	vmpcnt.ones.xlane vm8;
	vm9 =	vlt.s32 v22, v2;
	v22 =	vmpcnt.ones.xlane vm2;
	v30 =	vld [tilespmem:s19+$0xFFFFFFB0]  }
0x4d: {  	v35 =	vmpcnt.ones.xlane vm5;
	v33 =	vsel vm9, $0x1, v0;
	v34 =	vmpcnt.ones.xlane vm9;
	v32 =	vld [tilespmem:s19+$0xFFFFFF80]  }
0x4e: {  	v36 =	vmpcnt.ones.xlane vm3;
	vm2 =	vlt.s32 v26, v2;
	v26, _, _ =	vpop (xrf0);
	(xrf0) =	vadd.scan.msk.s32 $0xffff, v33;
	v33 =	vmpcnt.ones.xlane vm1  }
0x4f: {  	vm1 =	vlt.s32 v7, v2;
	v37 =	vsel vm2, $0x1, v0;
	v7 =	vadd.s32 v9, v20  }
0x50: {  	v9 =	vsel vm1, $0x1, v0;
	v20 =	vmpcnt.ones.xlane vm1;
	v7 =	vadd.s32 v33, v7;
	(xrf0) =	vadd.scan.msk.s32 $0xffff, v4;
	v4 =	vmovc v23  }
0x51: {  	vm3 =	vlt.s32 v29, v2;
	vm1 =	vlt.s32 v30, v2;
	(xrf0) =	vadd.scan.msk.s32 $0xffff, v9;
	v9 =	vadd.s32 v36, v7  }
0x52: {  	v29 =	vsel vm3, $0x1, v0;
	v38 =	vsel vm1, $0x1, v0;
	v23 =	vmpcnt.ones.xlane vm1  }
0x53: {  	vm5 =	vlt.s32 v21, v2;
	vm1 =	vlt.s32 v32, v2;
	v32 =	vmpcnt.ones.xlane vm6;
	v30 =	vld [tilespmem:s19+$0xFFFFFFF0];
	(xrf0) =	vadd.scan.msk.s32 $0xffff, v38  }
0x54: {  	v33 =	vsel vm5, $0x1, v0;
	v36 =	vmpcnt.ones.xlane vm5;
	v21 =	vsel vm1, $0x1, v0;
	v7, _, _ =	vpop (xrf0);
	(xrf0) =	vadd.scan.msk.s32 $0xffff, v37  }
0x55: {  	v39 =	vsel vm6, $0x1, v0;
	v38 =	vmpcnt.ones.xlane vm7;
	v37 =	vmpcnt.ones.xlane vm1;
	(xrf0) =	vadd.scan.msk.s32 $0xffff, v21  }
0x56: {  	v5 =	vadd.s32 v12, v5;
	v21 =	vmpcnt.ones.xlane vm2;
	vm2 =	vlt.s32 v25, v2;
	(xrf0) =	vadd.scan.msk.s32 $0xffff, v29;
	v12, _, _ =	vpop (xrf0)  }
0x57: {  	v25 =	vmpcnt.ones.xlane vm3;
	v29 =	vmpcnt.ones.xlane vm2;
	v40, _, _ =	vpop (xrf0);
	v12 =	vadd.s32 v5, v12  }
0x58: {  	v5 =	vadd.s32 v5, v24;
	vm1 =	vlt.s32 v30, v2;
	(xrf0) =	vadd.scan.msk.s32 $0xffff, v27;
	vm3 =	vle.s32 v12, v3  }
0x59: {  	v12 =	vadd.s32 v5, v37;
	v24 =	vsel vm1, $0x1, v0;
	v27, _, _ =	vpop (xrf0);
	(xrf0) =	vadd.scan.msk.s32 $0xffff, v33;
	v30 =	vmpcnt.ones.xlane vm3  }
0x5a: {  	v9 =	vadd.s32 v22, v9;
	v41 =	vadd.s32 v12, v16;
	v33 =	vmpcnt.ones.xlane vm1;
	v37, _, _ =	vpop (xrf0);
	(xrf0) =	vadd.scan.msk.s32 $0xffff, v24  }
0x5b: {  	v12 =	vadd.s32 v12, v26;
	v22 =	vadd.s32 v41, v40;
	v20 =	vadd.s32 v41, v20;
	v24 =	vld [tilespmem:s19+$0x60];
	v16, _, _ =	vpop (xrf0)  }
0x5c: {  	vm1 =	vle.s32 v22, v3;
	v22 =	vadd.s32 v20, v23;
	v5 =	vadd.s32 v5, v16;
	v23, _, _ =	vpop (xrf0)  }
0x5d: {  	v9 =	vadd.s32 v28, v9;
	vm3 =	vle.s32 v12, v3;
	v16 =	vadd.s32 v22, v25  }
0x5e: {  	v13 =	vadd.s32 v13, v9;
	v25 =	vsel vm2, $0x1, v0;
	v12 =	vadd.s32 v16, v34;
	v26, _, _ =	vpop (xrf0)  }
0x5f: {  	v20 =	vadd.s32 v20, v27;
	vm5 =	vle.s32 v5, v3;
	v21 =	vadd.s32 v12, v21;
	v27, _, _ =	vpop (xrf0);
	(xrf0) =	vadd.scan.msk.s32 $0xffff, v25  }
0x60: {  	v6 =	vadd.s32 v6, v13;
	v9 =	vmpcnt.ones.xlane vm3;
	vm6 =	vlt.s32 v24, v2;
	v24, _, _ =	vpop (xrf0)  }
0x61: {  	v6 =	vadd.s32 v35, v6;
	v13 =	vadd.s32 v22, v23;
	v5 =	vmpcnt.ones.xlane vm6  }
0x62: {  	v6 =	vadd.s32 v31, v6;
	vm2 =	vle.s32 v13, v3;
	v13 =	vmpcnt.ones.xlane vm4  }
0x63: {  	v6 =	vadd.s32 v14, v6;
	vm3 =	vle.s32 v20, v3;
	v12 =	vadd.s32 v12, v37  }
0x64: {  	v6 =	vadd.s32 v19, v6;
	vm4 =	vle.s32 v12, v3;
	v12 =	vadd.s32 v21, v33;
	(xrf0) =	vadd.scan.msk.s32 $0xffff, v39  }
0x65: {  	v20 =	vmpcnt.ones.xlane vm5;
	v19 =	vadd.s32 v12, v36;
	v14 =	vadd.s32 v21, v24;
	v21, _, _ =	vpop (xrf0);
	(xrf0) =	vadd.scan.msk.s32 $0xffff, v15  }
.Ltmp0:
0x66: {  	v6 =	vadd.s32 v18, v6;
	v22 =	vsel vm6, $0x1, v0;
	v15 =	vadd.s32 v19, v29;
	(xrf0) =	vadd.scan.msk.s32 $0xffff, v17;
	(pc) =	sbr.rel @p0 .LBB2_2-.Ltmp0, $4  }
0x67: {  	vm5 =	vle.s32 v14, v3;
	v14 =	vadd.s32 v15, v38;
	v17 =	vadd.s32 v8, v6;
	(xrf0) =	vadd.scan.msk.s32 $0xffff, v22  }
0x68: {  	v6 =	vmpcnt.ones.xlane vm5;
	v8 =	vadd.s32 v14, v13;
	v13 =	vadd.s32 v10, v17  }
0x69: {  	v17 =	vadd.s32 v12, v27;
	v10 =	vadd.s32 v8, v32;
	v12 =	vadd.s32 v30, v13  }
0x6a: {  	s19 =	sadd.s32 $0x100, s19;
	v15 =	vadd.s32 v15, v26;
	v20 =	vadd.s32 v12, v20;
	v12 =	vadd.s32 v10, v11;
	v11, _, _ =	vpop (xrf0)  }
0x6b: {  	vm0 =	vle.s32 v17, v3;
	v17 =	vmpcnt.ones.xlane vm1  }
0x6c: {  	v7 =	vadd.s32 v16, v7;
	v16 =	vmpcnt.ones.xlane vm3;
	v9 =	vadd.s32 v9, v20  }
0x6d: {  	(xrf0) =	vadd.scan.msk.s32 $0xffff, v4;
	vm1 =	vle.s32 v7, v3;
	v7 =	vmpcnt.ones.xlane vm2;
	v9 =	vadd.s32 v17, v9  }
0x6e: {  	v13 =	vmpcnt.ones.xlane vm4;
	v18 =	vadd.s32 v19, v21;
	v9 =	vadd.s32 v16, v9  }
0x6f: {  	v4, _, _ =	vpop (xrf0);
	v8 =	vadd.s32 v8, v11;
	v5 =	vadd.s32 v12, v5;
	v7 =	vadd.s32 v7, v9  }
0x70: {  	vm2 =	vle.s32 v15, v3;
	v15, _, _ =	vpop (xrf0);
	v4 =	vadd.s32 v10, v4;
	v17 =	vmpcnt.ones.xlane vm1  }
0x71: {  	s0 =	sadd.s32 $0xFFFFFF40, s9;
	vm4 =	vle.s32 v18, v3;
	v10 =	vadd.s32 v14, v15;
	vm1 =	vle.s32 v4, v3  }
0x72: {  	v11 =	vmpcnt.ones.xlane vm4;
	v14 =	vor.u32 s0, v1;
	v4 =	vadd.s32 v17, v7;
	v7, _, _ =	vpop (xrf0)  }
0x73: {  	vm3 =	vle.s32 v10, v3;
	v9 =	vmpcnt.ones.xlane vm0;
	v4 =	vadd.s32 v13, v4;
	v13, _, _ =	vpop (xrf0)  }
0x74: {  	v10 =	vmpcnt.ones.xlane vm1;
	vm0 =	vle.s32 v8, v3;
	v4 =	vadd.s32 v6, v4;
	_ =	swait.ge [sflag:s14], $0x800  }
0x75: {  	v6 =	vadd.s32 v12, v7;
	v7 =	vmpcnt.ones.xlane vm2;
	v4 =	vadd.s32 v9, v4;
	[sflag:s14] =	ssyncset.done $0x0  }
0x76: {  	s18 =	simm.s32 $0x1100;
	v8 =	vmpcnt.ones.xlane vm3;
	v9 =	vmpcnt.ones.xlane vm0;
	v4 =	vadd.s32 v11, v4;
	[sflag:s14] =	ssyncadd.s32 $0xFFFFF800  }
0x77: {  	vm0 =	vle.s32 v6, v3;
	v5 =	vadd.s32 v5, v13;
	v4 =	vadd.s32 v7, v4;
	v6 =	vld [tilespmem:s18+$0x70]  }
0x78: {  	s31 =	sadd.s32 $0xFFFFFF30, s9;
	v7 =	vmpcnt.ones.xlane vm0;
	vm0 =	vle.s32 v5, v3;
	v4 =	vadd.s32 v8, v4;
	v19 =	vld [tilespmem:s18+$0xFFFFFF80]  }
0x79: {  	s19 =	sadd.s32 $0xFFFFFF10, s9;
	s20 =	sadd.s32 $0xFFFFFF20, s9;
	v11 =	vor.u32 s31, v1;
	v3 =	vadd.s32 v9, v4;
	v4 =	vmpcnt.ones.xlane vm0  }
0x7a: {  	v5 =	vld [tilespmem:s18+$0xFFFFFF90];
	v9 =	vor.u32 s19, v1;
	v3 =	vadd.s32 v10, v3;
	v10 =	vor.u32 s20, v1  }
0x7b: {  	vm14 =	vlt.s32 v9, v2;
	v3 =	vadd.s32 v7, v3;
	v7 =	vor.u32 s9, v1  }
0x7c: {  	vm15 =	vlt.s32 v10, v2;
	v3 =	vadd.s32 v4, v3;
	v4 =	vld [tilespmem:s18+$0xFFFFFFA0];
	vm0 =	vlt.s32 v7, v2  }
0x7d: {  	vm1 =	vlt.s32 v6, v3;
	vm2 =	vge.s32 v6, v3;
	vm11 =	vge.s32 v19, v3  }
0x7e: {  	v8 =	vld [tilespmem:s18+$0xFFFFFFB0];
	vm12 =	vlt.s32 v19, v3;
	vm1 =	vmand vm0, vm1;
	vm0 =	vmand vm0, vm2  }
0x7f: {  	v13 =	vld [tilespmem:s18+$0xFFFFFFE0];
	v12 =	vsel vm1, $0x1, v0;
	v16 =	vsel vm0, $0x1, v0;
	vm1 =	vlt.s32 v5, v3  }
0x80: {  	v6 =	vld [tilespmem:s18+$0xFFFFFFD0];
	vm0 =	vge.s32 v5, v3;
	v5 =	vimm.s32 $0x0;
	vm1 =	vmand vm15, vm1  }
0x81: {  	v7 =	vld [tilespmem:s18+$0xFFFFFFC0];
	vm12 =	vmand vm14, vm12;
	vm2 =	vge.s32 v4, v3;
	v5 =	vsel vm1, $0xFFFFFFFF, v5  }
0x82: {  	vm3 =	vlt.s32 v4, v3;
	v4 =	vld [tilespmem:s18+$0xFFFFFFF0];
	vm0 =	vmand vm15, vm0;
	[tilespmem:$0x1FF40] =	vst v5;
	v5 =	vimm.s32 $0x0  }
0x83: {  	vm11 =	vmand vm14, vm11;
	vm14 =	vlt.s32 v11, v2;
	v5 =	vsel vm0, $0xFFFFFFFF, v5  }
0x84: {  	vm5 =	vlt.s32 v8, v3;
	vm1 =	vmand vm14, vm3;
	[tilespmem:$0x1FF50] =	vst v5;
	v5 =	vimm.s32 $0x0  }
0x85: {  	vm8 =	vge.s32 v6, v3;
	vm9 =	vlt.s32 v6, v3;
	v5 =	vsel vm1, $0xFFFFFFFF, v5  }
0x86: {  	vm0 =	vlt.s32 v14, v2;
	vm1 =	vmand vm14, vm2;
	[tilespmem:$0x1FF60] =	vst v5;
	v5 =	vimm.s32 $0x0  }
0x87: {  	v6 =	vimm.s32 $0x0;
	vm2 =	vmand vm0, vm5;
	v5 =	vsel vm1, $0xFFFFFFFF, v5  }
0x88: {  	s21 =	sadd.s32 $0xFFFFFF50, s9;
	vm4 =	vge.s32 v8, v3;
	v6 =	vsel vm2, $0xFFFFFFFF, v6;
	[tilespmem:$0x1FF70] =	vst v5  }
0x89: {  	v15 =	vor.u32 s21, v1;
	vm0 =	vmand vm0, vm4;
	v5 =	vld [tilespmem:s18+$0x0];
	[tilespmem:$0x1FF80] =	vst v6;
	v6 =	vimm.s32 $0x0  }
0x8a: {  	s22 =	sadd.s32 $0xFFFFFF70, s9;
	vm7 =	vlt.s32 v7, v3;
	vm1 =	vlt.s32 v15, v2;
	v6 =	vsel vm0, $0xFFFFFFFF, v6  }
0x8b: {  	s1 =	sadd.s32 $0xFFFFFF60, s9;
	v18 =	vor.u32 s22, v1;
	vm2 =	vmand vm1, vm7;
	[tilespmem:$0x1FF90] =	vst v6;
	v6 =	vimm.s32 $0x0  }
0x8c: {  	v17 =	vor.u32 s1, v1;
	vm6 =	vge.s32 v7, v3;
	v6 =	vsel vm2, $0xFFFFFFFF, v6  }
0x8d: {  	vm1 =	vmand vm1, vm6;
	vm0 =	vlt.s32 v17, v2;
	[tilespmem:$0x1FFA0] =	vst v6;
	v6 =	vimm.s32 $0x0  }
0x8e: {  	s23 =	sadd.s32 $0xFFFFFF80, s9;
	v7 =	vimm.s32 $0x0;
	vm2 =	vmand vm0, vm9;
	v6 =	vsel vm1, $0xFFFFFFFF, v6  }
0x8f: {  	v20 =	vor.u32 s23, v1;
	v9 =	vimm.s32 $0x0;
	v7 =	vsel vm2, $0xFFFFFFFF, v7;
	[tilespmem:$0x1FFB0] =	vst v6  }
0x90: {  	vm10 =	vge.s32 v13, v3;
	vm0 =	vmand vm0, vm8;
	v6 =	vld [tilespmem:s18+$0x10];
	[tilespmem:$0x1FFC0] =	vst v7;
	v7 =	vimm.s32 $0x0  }
0x91: {  	vm13 =	vlt.s32 v13, v3;
	vm1 =	vlt.s32 v18, v2;
	v7 =	vsel vm0, $0xFFFFFFFF, v7  }
0x92: {  	vm3 =	vlt.s32 v5, v3;
	vm2 =	vmand vm1, vm13;
	[tilespmem:$0x1FFD0] =	vst v7;
	v7 =	vimm.s32 $0x0  }
0x93: {  	s24 =	sadd.s32 $0xFFFFFF90, s9;
	vm0 =	vlt.s32 v4, v3;
	v7 =	vsel vm2, $0xFFFFFFFF, v7;
	vm2 =	vlt.s32 v20, v2  }
0x94: {  	vm1 =	vmand vm1, vm10;
	[tilespmem:$0x1FFE0] =	vst v7;
	v7 =	vor.u32 s24, v1;
	vm0 =	vmand vm2, vm0  }
0x95: {  	s25 =	sadd.s32 $0xFFFFFFA0, s9;
	v8 =	vld [tilespmem:s18+$0x20];
	v9 =	vsel vm0, $0xFFFFFFFF, v9;
	vm0 =	vge.s32 v4, v3;
	vm4 =	vlt.s32 v7, v2  }
0x96: {  	v4 =	vor.u32 s25, v1;
	[tilespmem:$0x1FFF0] =	vst v9;
	vm14 =	vmand vm2, vm0;
	vm15 =	vmand vm4, vm3  }
0x97: {  	s26 =	sadd.s32 $0xFFFFFFB0, s9;
	vm0 =	vge.s32 v5, v3;
	vm2 =	vlt.s32 v6, v3;
	vm3 =	vlt.s32 v4, v2;
	v7 =	vld [tilespmem:s18+$0x30]  }
0x98: {  	s28 =	sadd.s32 $0xFFFFFFC0, s9;
	v4 =	vor.u32 s26, v1;
	vm5 =	vmand vm4, vm0;
	v5 =	vld [tilespmem:s18+$0x40];
	vm6 =	vmand vm3, vm2  }
0x99: {  	vm0 =	vge.s32 v6, v3;
	vm4 =	vlt.s32 v4, v2;
	v4 =	vor.u32 s28, v1  }
0x9a: {  	s29 =	sadd.s32 $0xFFFFFFD0, s9;
	vm8 =	vmand vm3, vm0;
	vm3 =	vlt.s32 v4, v2;
	vm2 =	vlt.s32 v8, v3  }
0x9b: {  	v4 =	vor.u32 s29, v1;
	vm0 =	vge.s32 v8, v3;
	vm7 =	vmand vm4, vm2  }
0x9c: {  	v6 =	vld [tilespmem:s18+$0x50];
	vm9 =	vmand vm4, vm0;
	vm4 =	vlt.s32 v4, v2;
	vm2 =	vlt.s32 v7, v3  }
0x9d: {  	vm0 =	vge.s32 v7, v3;
	vm10 =	vmand vm3, vm2;
	vm2 =	vlt.s32 v5, v3  }
0x9e: {  	s30 =	sadd.s32 $0xFFFFFFE0, s9;
	v7 =	vimm.s32 $0x0;
	vm13 =	vmand vm3, vm0;
	vm0 =	vmand vm4, vm2  }
0x9f: {  	v4 =	vor.u32 s30, v1;
	v7 =	vsel vm0, $0xFFFFFFFF, v7;
	vm0 =	vge.s32 v5, v3  }
0xa0: {  	vm3 =	vlt.s32 v4, v2;
	v4 =	vimm.s32 $0x0;
	vm0 =	vmand vm4, vm0  }
0xa1: {  	v4 =	vsel vm0, $0xFFFFFFFF, v4;
	vm0 =	vge.s32 v6, v3  }
0xa2: {  	v8 =	vld [tilespmem:s18+$0x60];
	[tilespmem:$0x1FF20] =	vst v4;
	vm0 =	vmand vm3, vm0;
	v4 =	vimm.s32 $0x0  }
0xa3: {  	[tilespmem:$0x1FF10] =	vst v7;
	v4 =	vsel vm0, $0xFFFFFFFF, v4  }
0xa4: {  	s18 =	simm.s32 $0x1900;
	[tilespmem:$0x1FF30] =	vst v4  }
0xa5: {  	s19 =	simm.s32 $0x2100;
	[tilespmem:s18+$0x70] =	vst v12  }
0xa6: {  	[tilespmem:s19+$0x70] =	vst v16  }
0xa7: {  	vm2 =	vlt.s32 v6, v3;
	v6 =	vld [tilespmem:$0x1FF40]  }
0xa8: {  	s31 =	sadd.s32 $0xFFFFFFF0, s9  }
0xa9: {  	v5 =	vor.u32 s31, v1;
	vm4 =	vmmov vm7;
	vm7 =	vmand vm3, vm2  }
0xaa: {  	vm2 =	vge.s32 v8, v3;
	vm3 =	vlt.s32 v5, v2;
	vm0 =	vlt.s32 v8, v3  }
0xab: {  	vm2 =	vmand vm3, vm2;
	vm0 =	vmand vm3, vm0  }
0xac: {  	vm3 =	vmmov vm6;
	vm6 =	vmmov vm9;
	vm9 =	vnez.u8 v6;
	v6 =	vld [tilespmem:$0x1FF50];
	_ =	sdelay $0x3  }
0xad: {  	v4 =	vsel vm12, $0x1, v0  }
0xae: {  	v9 =	vsel vm9, $0x1, v0;
	vm9 =	vnez.u8 v6;
	v6 =	vld [tilespmem:$0x1FF60];
	[tilespmem:s18+$0xFFFFFF80] =	vst v4  }
0xaf: {  	v4 =	vld [tilespmem:$0x1FF70];
	_ =	sdelay $0x3  }
0xb0: {  	v10 =	vsel vm9, $0x1, v0;
	vm9 =	vnez.u8 v6  }
0xb1: {  	v11 =	vsel vm9, $0x1, v0;
	vm9 =	vnez.u8 v4;
	v4 =	vld [tilespmem:$0x1FF80];
	_ =	sdelay $0x4  }
0xb2: {  	v8 =	vsel vm9, $0x1, v0;
	vm9 =	vnez.u8 v4;
	v4 =	vld [tilespmem:$0x1FF90];
	_ =	sdelay $0x2  }
0xb3: {  	v5 =	vsel vm11, $0x1, v0  }
0xb4: {  	[tilespmem:s19+$0xFFFFFF80] =	vst v5  }
0xb5: {  	v7 =	vsel vm9, $0x1, v0;
	vm9 =	vnez.u8 v4;
	v4 =	vld [tilespmem:$0x1FFA0]  }
0xb6: {  	v5 =	vld [tilespmem:$0x1FFB0]  }
0xb7: {  	v12 =	vld [tilespmem:$0x1FFC0];
	[tilespmem:s18+$0xFFFFFF90] =	vst v9  }
0xb8: {  	v9 =	vld [tilespmem:$0x1FFD0];
	_ =	sdelay $0x1  }
0xb9: {  	v6 =	vsel vm9, $0x1, v0;
	vm9 =	vnez.u8 v4  }
0xba: {  	v4 =	vsel vm9, $0x1, v0;
	vm9 =	vnez.u8 v5  }
0xbb: {  	v5 =	vsel vm9, $0x1, v0;
	vm9 =	vnez.u8 v12  }
0xbc: {  	v18 =	vsel vm9, $0x1, v0;
	vm9 =	vnez.u8 v9;
	v9 =	vld [tilespmem:$0x1FFE0];
	_ =	sdelay $0x3  }
0xbd: {  	[tilespmem:s19+$0xFFFFFF90] =	vst v10  }
0xbe: {  	v17 =	vsel vm9, $0x1, v0;
	vm9 =	vnez.u8 v9;
	v9 =	vld [tilespmem:$0x1FFF0];
	_ =	sdelay $0x3  }
0xbf: {  	v15 =	vsel vm1, $0x1, v0;
	v13 =	vsel vm14, $0x1, v0  }
0xc0: {  	s22 =	simm.s32 $0x0;
	s23 =	simm.s32 $0x1200;
	vm1 =	vmmov vm5;
	v16 =	vsel vm9, $0x1, v0;
	vm9 =	vnez.u8 v9  }
0xc1: {  	s21 =	simm.s32 $0x2100;
	s20 =	simm.s32 $0x1900;
	s24 =	smov.u32 s9;
	vm5 =	vmmov vm13;
	[tilespmem:s18+$0xFFFFFFA0] =	vst v11;
	v9 =	vsel vm15, $0x1, v0;
	v14 =	vsel vm9, $0x1, v0  }
.LBB2_4:
0xc2: {  	[tilespmem:s18+$0xFFFFFFB0] =	vst v7  }
0xc3: {  	[tilespmem:s19+$0xFFFFFFB0] =	vst v6;
	v6 =	vld [tilespmem:$0x1FF10];
	_ =	sdelay $0x3  }
0xc4: {  	v19 =	vld [tilespmem:s23+$0x70]  }
0xc5: {  	v20 =	vsel vm1, $0x1, v0;
	vm1 =	vnez.u8 v6;
	v6 =	vld [tilespmem:$0x1FF20]  }
0xc6: {  	[tilespmem:s18+$0xFFFFFFC0] =	vst v4;
	v4 =	vld [tilespmem:$0x1FF30];
	_ =	sdelay $0x1  }
0xc7: {  	v23 =	vld [tilespmem:s23+$0xFFFFFF90];
	s24 =	sadd.s32 $0x100, s24  }
0xc8: {  	v28 =	vld [tilespmem:s23+$0xFFFFFFC0];
	v29 =	vor.u32 s24, v1;
	[tilespmem:s19+$0xFFFFFFC0] =	vst v5;
	v5 =	vsel vm2, $0x1, v0  }
0xc9: {  	[tilespmem:s19+$0xFFFFFFA0] =	vst v8;
	vm2 =	vge.s32 v19, v3;
	v10 =	vsel vm1, $0x1, v0;
	vm1 =	vnez.u8 v6  }
0xca: {  	v26 =	vld [tilespmem:s23+$0xFFFFFFA0];
	v8 =	vsel vm1, $0x1, v0;
	vm1 =	vnez.u8 v4;
	v4 =	vsel vm0, $0x1, v0  }
0xcb: {  	vm0 =	vlt.s32 v29, v2;
	v6 =	vsel vm1, $0x1, v0;
	vm1 =	vlt.s32 v19, v3  }
0xcc: {  	vm1 =	vmand vm0, vm1;
	vm0 =	vmand vm0, vm2  }
0xcd: {  	v55 =	vld [tilespmem:s23+$0xFFFFFFE0];
	v35 =	vimm.s32 $0x0;
	v56 =	vsel vm0, $0x1, v0;
	vm0 =	vge.s32 v23, v3  }
0xce: {  	[tilespmem:s20+$0xFFFFFFE0] =	vst v16;
	v59 =	vimm.s32 $0x0;
	v27 =	vld [tilespmem:s23+$0xFFFFFFB0];
	v35 =	vsel vm0, $0xFFFFFFFF, v35;
	vm0 =	vlt.s32 v23, v3  }
0xcf: {  	[tilespmem:s21+$0xFFFFFFE0] =	vst v15;
	v15 =	vimm.s32 $0x0;
	v23 =	vsel vm0, $0xFFFFFFFF, v59;
	vm0 =	vge.s32 v26, v3  }
0xd0: {  	v15 =	vsel vm0, $0xFFFFFFFF, v15  }
0xd1: {  	vm0 =	vlt.s32 v26, v3;
	[tilespmem:$0x1FCC0] =	vst v15;
	v15 =	vimm.s32 $0x0  }
0xd2: {  	v15 =	vsel vm0, $0xFFFFFFFF, v15  }
0xd3: {  	vm0 =	vge.s32 v27, v3;
	[tilespmem:$0x1FCB0] =	vst v15;
	v15 =	vimm.s32 $0x0  }
0xd4: {  	v19 =	vld [tilespmem:s23+$0xFFFFFFF0];
	[tilespmem:s20+$0xFFFFFFF0] =	vst v14;
	v14 =	vimm.s32 $0x0;
	v15 =	vsel vm0, $0xFFFFFFFF, v15;
	vm0 =	vlt.s32 v27, v3  }
0xd5: {  	v14 =	vsel vm0, $0xFFFFFFFF, v14  }
0xd6: {  	vm0 =	vge.s32 v28, v3;
	[tilespmem:$0x1FCD0] =	vst v14;
	v14 =	vimm.s32 $0x0  }
0xd7: {  	[tilespmem:s21+$0xFFFFFFF0] =	vst v13;
	v14 =	vsel vm0, $0xFFFFFFFF, v14  }
0xd8: {  	vm0 =	vlt.s32 v28, v3;
	[tilespmem:$0x1FD00] =	vst v14;
	v14 =	vimm.s32 $0x0  }
0xd9: {  	v13 =	vld [tilespmem:s23+$0xFFFFFF80];
	[tilespmem:$0x1FC90] =	vst v23;
	v14 =	vsel vm0, $0xFFFFFFFF, v14  }
0xda: {  	[tilespmem:$0x1FCF0] =	vst v14;
	v14 =	vld [tilespmem:s23+$0x60]  }
0xdb: {  	[tilespmem:s20+$0x60] =	vst v4;
	v4 =	vld [tilespmem:$0x1FC90]  }
0xdc: {  	s25 =	sadd.s32 $0xFFFFFF10, s24  }
0xdd: {  	s26 =	sadd.s32 $0xFFFFFF20, s24;
	v30 =	vor.u32 s25, v1  }
0xde: {  	v31 =	vld [tilespmem:s23+$0xFFFFFFD0];
	[tilespmem:s18+$0xFFFFFFD0] =	vst v18;
	v18 =	vor.u32 s26, v1;
	vm13 =	vlt.s32 v30, v2  }
0xdf: {  	vm15 =	vlt.s32 v18, v2;
	vm9 =	vge.s32 v13, v3;
	vm14 =	vlt.s32 v13, v3  }
0xe0: {  	vm14 =	vmand vm13, vm14;
	vm9 =	vmand vm13, vm9;
	vm13 =	vnez.u8 v4  }
0xe1: {  	v4 =	vimm.s32 $0x0;
	vm13 =	vmand vm15, vm13  }
0xe2: {  	[tilespmem:$0x1FCA0] =	vst v35;
	v4 =	vsel vm13, $0xFFFFFFFF, v4  }
0xe3: {  	[tilespmem:$0x1FE70] =	vst v4;
	v4 =	vld [tilespmem:$0x1FCA0];
	_ =	sdelay $0x4  }
0xe4: {  	vm13 =	vnez.u8 v4;
	v4 =	vld [tilespmem:$0x1FCB0]  }
0xe5: {  	v34 =	vld [tilespmem:s23+$0x0];
	v61 =	vimm.s32 $0x0;
	v62 =	vimm.s32 $0x0;
	[tilespmem:s20+$0x0] =	vst v9;
	vm0 =	vge.s32 v31, v3  }
0xe6: {  	v63 =	vimm.s32 $0x0;
	s28 =	sadd.s32 $0xFFFFFF30, s24;
	[tilespmem:s19+$0xFFFFFFD0] =	vst v17;
	v26 =	vsel vm0, $0xFFFFFFFF, v61;
	vm0 =	vlt.s32 v31, v3  }
0xe7: {  	v17 =	vor.u32 s28, v1;
	[tilespmem:$0x1FD20] =	vst v26;
	v26 =	vsel vm0, $0xFFFFFFFF, v62;
	vm0 =	vge.s32 v55, v3  }
0xe8: {  	v9 =	vimm.s32 $0x0;
	vm11 =	vlt.s32 v17, v2;
	[tilespmem:$0x1FD10] =	vst v26;
	v26 =	vsel vm0, $0xFFFFFFFF, v63  }
0xe9: {  	vm0 =	vlt.s32 v55, v3;
	vm15 =	vmand vm15, vm13;
	vm13 =	vnez.u8 v4  }
0xea: {  	v9 =	vsel vm0, $0xFFFFFFFF, v9;
	v4 =	vimm.s32 $0x0;
	vm13 =	vmand vm11, vm13  }
0xeb: {  	vm0 =	vge.s32 v19, v3;
	[tilespmem:$0x1FD30] =	vst v9;
	v9 =	vimm.s32 $0x0;
	v4 =	vsel vm13, $0xFFFFFFFF, v4  }
0xec: {  	v9 =	vsel vm0, $0xFFFFFFFF, v9;
	[tilespmem:$0x1FE80] =	vst v4;
	v4 =	vld [tilespmem:$0x1FCC0]  }
0xed: {  	vm0 =	vlt.s32 v19, v3;
	[tilespmem:$0x1FD60] =	vst v9;
	v9 =	vimm.s32 $0x0  }
0xee: {  	v37 =	vld [tilespmem:s23+$0x10];
	v9 =	vsel vm0, $0xFFFFFFFF, v9  }
0xef: {  	vm0 =	vge.s32 v34, v3;
	[tilespmem:$0x1FD50] =	vst v9;
	v9 =	vimm.s32 $0x0  }
0xf0: {  	v9 =	vsel vm0, $0xFFFFFFFF, v9  }
0xf1: {  	vm0 =	vlt.s32 v34, v3;
	[tilespmem:$0x1FD80] =	vst v9;
	v9 =	vimm.s32 $0x0;
	vm13 =	vnez.u8 v4;
	v4 =	vld [tilespmem:$0x1FCD0]  }
0xf2: {  	v40 =	vld [tilespmem:s23+$0x20];
	v9 =	vsel vm0, $0xFFFFFFFF, v9  }
0xf3: {  	vm0 =	vge.s32 v37, v3;
	[tilespmem:$0x1FD70] =	vst v9;
	v9 =	vimm.s32 $0x0  }
0xf4: {  	v42 =	vld [tilespmem:s23+$0x30];
	[tilespmem:$0x1FCE0] =	vst v15;
	v9 =	vsel vm0, $0xFFFFFFFF, v9  }
0xf5: {  	v7 =	vsel vm7, $0x1, v0;
	v15 =	vld [tilespmem:s23+$0x50];
	vm0 =	vlt.s32 v37, v3;
	[tilespmem:$0x1FDA0] =	vst v9;
	v9 =	vimm.s32 $0x0  }
0xf6: {  	[tilespmem:s20+$0x50] =	vst v7;
	v9 =	vsel vm0, $0xFFFFFFFF, v9;
	vm11 =	vmand vm11, vm13;
	vm13 =	vnez.u8 v4;
	v4 =	vld [tilespmem:$0x1FCE0]  }
0xf7: {  	vm0 =	vge.s32 v40, v3;
	[tilespmem:$0x1FD90] =	vst v9;
	v9 =	vimm.s32 $0x0  }
0xf8: {  	[tilespmem:s21+$0x50] =	vst v6;
	v9 =	vsel vm0, $0xFFFFFFFF, v9  }
0xf9: {  	v6 =	vimm.s32 $0x0;
	vm0 =	vlt.s32 v40, v3;
	[tilespmem:$0x1FDC0] =	vst v9;
	v9 =	vimm.s32 $0x0  }
0xfa: {  	v60 =	vld [tilespmem:s23+$0x40];
	v6 =	vsel vm14, $0xFFFFFFFF, v6;
	v9 =	vsel vm0, $0xFFFFFFFF, v9  }
0xfb: {  	vm0 =	vge.s32 v42, v3;
	[tilespmem:$0x1FDB0] =	vst v9;
	v9 =	vimm.s32 $0x0;
	vm14 =	vnez.u8 v4;
	v4 =	vld [tilespmem:$0x1FCF0]  }
0xfc: {  	v11 =	vsel vm10, $0x1, v0;
	s29 =	sadd.s32 $0xFFFFFF50, s24;
	v9 =	vsel vm0, $0xFFFFFFFF, v9  }
0xfd: {  	s25 =	sadd.s32 $0xFFFFFF40, s24;
	v33 =	vor.u32 s29, v1;
	vm0 =	vlt.s32 v42, v3;
	[tilespmem:$0x1FDE0] =	vst v9;
	v9 =	vimm.s32 $0x0  }
0xfe: {  	v16 =	vor.u32 s25, v1;
	vm12 =	vlt.s32 v33, v2;
	v9 =	vsel vm0, $0xFFFFFFFF, v9  }
0xff: {  	vm10 =	vlt.s32 v16, v2;
	vm0 =	vge.s32 v60, v3;
	[tilespmem:$0x1FDD0] =	vst v9;
	v9 =	vimm.s32 $0x0  }
0x100: {  	vm13 =	vmand vm10, vm13;
	vm14 =	vmand vm10, vm14;
	vm10 =	vnez.u8 v4  }
0x101: {  	v9 =	vsel vm0, $0xFFFFFFFF, v9;
	v4 =	vimm.s32 $0x0;
	vm10 =	vmand vm12, vm10  }
0x102: {  	[tilespmem:$0x1FE00] =	vst v9;
	v4 =	vsel vm10, $0xFFFFFFFF, v4  }
0x103: {  	vm0 =	vlt.s32 v60, v3;
	v9 =	vimm.s32 $0x0;
	[tilespmem:$0x1FE90] =	vst v4;
	v4 =	vld [tilespmem:$0x1FD00]  }
0x104: {  	v9 =	vsel vm0, $0xFFFFFFFF, v9  }
0x105: {  	vm0 =	vge.s32 v15, v3;
	[tilespmem:$0x1FDF0] =	vst v9;
	v9 =	vimm.s32 $0x0  }
0x106: {  	v9 =	vsel vm0, $0xFFFFFFFF, v9  }
0x107: {  	vm0 =	vlt.s32 v15, v3;
	[tilespmem:$0x1FE20] =	vst v9;
	v9 =	vimm.s32 $0x0  }
0x108: {  	v9 =	vsel vm0, $0xFFFFFFFF, v9;
	vm10 =	vnez.u8 v4;
	v4 =	vld [tilespmem:$0x1FD10]  }
0x109: {  	vm0 =	vge.s32 v14, v3;
	[tilespmem:$0x1FE10] =	vst v9;
	v9 =	vimm.s32 $0x0  }
0x10a: {  	v9 =	vsel vm0, $0xFFFFFFFF, v9  }
0x10b: {  	s30 =	sadd.s32 $0xFFFFFF60, s24;
	vm0 =	vlt.s32 v14, v3;
	[tilespmem:$0x1FE60] =	vst v9;
	v9 =	vimm.s32 $0x0  }
0x10c: {  	v57 =	vor.u32 s30, v1;
	v9 =	vsel vm0, $0xFFFFFFFF, v9  }
0x10d: {  	vm0 =	vlt.s32 v57, v2;
	vm12 =	vmand vm12, vm10;
	vm10 =	vnez.u8 v4  }
0x10e: {  	v4 =	vimm.s32 $0x0;
	vm10 =	vmand vm0, vm10  }
0x10f: {  	v4 =	vsel vm10, $0xFFFFFFFF, v4  }
0x110: {  	[tilespmem:$0x1FEA0] =	vst v4;
	v4 =	vld [tilespmem:$0x1FD20];
	_ =	sdelay $0x4  }
0x111: {  	vm10 =	vnez.u8 v4  }
0x112: {  	v4 =	vimm.s32 $0x0;
	vm0 =	vmand vm0, vm10  }
0x113: {  	v4 =	vsel vm0, $0xFFFFFFFF, v4  }
0x114: {  	[tilespmem:$0x1FEB0] =	vst v4;
	v4 =	vld [tilespmem:$0x1FD30];
	_ =	sdelay $0x2  }
0x115: {  	s26 =	sadd.s32 $0xFFFFFF70, s24  }
0x116: {  	v36 =	vor.u32 s26, v1  }
0x117: {  	v32 =	vsel vm1, $0x1, v0;
	vm1 =	vlt.s32 v36, v2;
	vm0 =	vnez.u8 v4  }
0x118: {  	v4 =	vimm.s32 $0x0;
	vm0 =	vmand vm1, vm0  }
0x119: {  	[tilespmem:$0x1FD40] =	vst v26;
	v4 =	vsel vm0, $0xFFFFFFFF, v4  }
0x11a: {  	[tilespmem:$0x1FEC0] =	vst v4;
	v4 =	vld [tilespmem:$0x1FD40];
	_ =	sdelay $0x4  }
0x11b: {  	vm0 =	vnez.u8 v4  }
0x11c: {  	v4 =	vimm.s32 $0x0;
	vm0 =	vmand vm1, vm0  }
0x11d: {  	v4 =	vsel vm0, $0xFFFFFFFF, v4  }
0x11e: {  	[tilespmem:$0x1FED0] =	vst v4;
	v4 =	vld [tilespmem:$0x1FD50];
	_ =	sdelay $0x2  }
0x11f: {  	s31 =	sadd.s32 $0xFFFFFF80, s24  }
0x120: {  	v58 =	vor.u32 s31, v1  }
0x121: {  	vm2 =	vlt.s32 v58, v2;
	vm0 =	vnez.u8 v4  }
0x122: {  	v4 =	vimm.s32 $0x0;
	vm0 =	vmand vm2, vm0  }
0x123: {  	v4 =	vsel vm0, $0xFFFFFFFF, v4  }
0x124: {  	[tilespmem:$0x1FEE0] =	vst v4;
	v4 =	vld [tilespmem:$0x1FD60];
	_ =	sdelay $0x4  }
0x125: {  	vm0 =	vnez.u8 v4  }
0x126: {  	v4 =	vimm.s32 $0x0;
	vm0 =	vmand vm2, vm0  }
0x127: {  	v4 =	vsel vm0, $0xFFFFFFFF, v4  }
0x128: {  	[tilespmem:$0x1FEF0] =	vst v4;
	v4 =	vld [tilespmem:$0x1FD70];
	_ =	sdelay $0x2  }
0x129: {  	s0 =	sadd.s32 $0xFFFFFF90, s24  }
0x12a: {  	v38 =	vor.u32 s0, v1  }
0x12b: {  	v21 =	vsel vm3, $0x1, v0;
	vm3 =	vlt.s32 v38, v2;
	vm0 =	vnez.u8 v4  }
0x12c: {  	v4 =	vimm.s32 $0x0;
	vm0 =	vmand vm3, vm0  }
0x12d: {  	v4 =	vsel vm0, $0xFFFFFFFF, v4  }
0x12e: {  	[tilespmem:$0x1FF00] =	vst v4;
	v4 =	vld [tilespmem:$0x1FD80];
	_ =	sdelay $0x4  }
0x12f: {  	vm0 =	vnez.u8 v4;
	v4 =	vld [tilespmem:$0x1FD90];
	_ =	sdelay $0x4  }
0x130: {  	vm1 =	vmand vm3, vm0;
	vm0 =	vnez.u8 v4;
	v4 =	vld [tilespmem:$0x1FDA0];
	_ =	sdelay $0x1  }
0x131: {  	s28 =	sadd.s32 $0xFFFFFFA0, s24  }
0x132: {  	v39 =	vor.u32 s28, v1  }
0x133: {  	v24 =	vsel vm4, $0x1, v0;
	vm4 =	vlt.s32 v39, v2  }
0x134: {  	vm3 =	vmand vm4, vm0;
	vm0 =	vnez.u8 v4;
	v4 =	vld [tilespmem:$0x1FDB0];
	_ =	sdelay $0x4  }
0x135: {  	vm2 =	vnez.u8 v4;
	v4 =	vld [tilespmem:$0x1FDC0];
	_ =	sdelay $0x1  }
0x136: {  	s1 =	sadd.s32 $0xFFFFFFB0, s24  }
0x137: {  	v41 =	vor.u32 s1, v1  }
0x138: {  	v25 =	vsel vm6, $0x1, v0;
	vm6 =	vlt.s32 v41, v2  }
0x139: {  	vm0 =	vmand vm4, vm0;
	vm4 =	vmand vm6, vm2;
	vm2 =	vnez.u8 v4;
	v4 =	vld [tilespmem:$0x1FDD0];
	_ =	sdelay $0x4  }
0x13a: {  	vm6 =	vmand vm6, vm2;
	vm2 =	vnez.u8 v4;
	v4 =	vld [tilespmem:$0x1FDE0];
	_ =	sdelay $0x1  }
0x13b: {  	s25 =	sadd.s32 $0xFFFFFFC0, s24  }
0x13c: {  	v43 =	vor.u32 s25, v1  }
0x13d: {  	v12 =	vsel vm5, $0x1, v0;
	vm5 =	vlt.s32 v43, v2  }
0x13e: {  	vm10 =	vmand vm5, vm2;
	vm2 =	vnez.u8 v4;
	v4 =	vld [tilespmem:$0x1FDF0];
	_ =	sdelay $0x2  }
0x13f: {  	s29 =	sadd.s32 $0xFFFFFFD0, s24  }
0x140: {  	v44 =	vor.u32 s29, v1  }
0x141: {  	vm7 =	vlt.s32 v44, v2;
	vm5 =	vmand vm5, vm2;
	vm2 =	vnez.u8 v4  }
0x142: {  	v4 =	vimm.s32 $0x0;
	vm2 =	vmand vm7, vm2  }
0x143: {  	v4 =	vsel vm2, $0xFFFFFFFF, v4  }
0x144: {  	[tilespmem:$0x1FF10] =	vst v4;
	v4 =	vld [tilespmem:$0x1FE00];
	_ =	sdelay $0x4  }
0x145: {  	vm2 =	vnez.u8 v4  }
0x146: {  	v4 =	vimm.s32 $0x0;
	vm2 =	vmand vm7, vm2  }
0x147: {  	v4 =	vsel vm2, $0xFFFFFFFF, v4  }
0x148: {  	[tilespmem:$0x1FF20] =	vst v4;
	v4 =	vld [tilespmem:$0x1FE10];
	_ =	sdelay $0x4  }
0x149: {  	vm2 =	vnez.u8 v4;
	v4 =	vld [tilespmem:$0x1FE20];
	_ =	sdelay $0x1  }
0x14a: {  	s26 =	sadd.s32 $0xFFFFFFE0, s24  }
0x14b: {  	v45 =	vor.u32 s26, v1  }
0x14c: {  	v22 =	vsel vm8, $0x1, v0;
	vm8 =	vlt.s32 v45, v2  }
0x14d: {  	vm7 =	vmand vm8, vm2;
	vm2 =	vnez.u8 v4  }
0x14e: {  	v4 =	vimm.s32 $0x0;
	vm2 =	vmand vm8, vm2  }
0x14f: {  	[tilespmem:$0x1FE30] =	vst v9;
	v4 =	vsel vm2, $0xFFFFFFFF, v4  }
0x150: {  	[tilespmem:$0x1FF30] =	vst v4;
	v4 =	vld [tilespmem:$0x1FE30];
	_ =	sdelay $0x3  }
0x151: {  	[tilespmem:$0x1FE40] =	vst v6  }
0x152: {  	vm8 =	vmmov vm0;
	vm0 =	vnez.u8 v4;
	v4 =	vld [tilespmem:$0x1FE40];
	_ =	sdelay $0x1  }
0x153: {  	v6 =	vimm.s32 $0x0  }
0x154: {  	v6 =	vsel vm9, $0xFFFFFFFF, v6  }
0x155: {  	[tilespmem:$0x1FE50] =	vst v6  }
0x156: {  	[tilespmem:s21+$0x60] =	vst v5;
	v5 =	vld [tilespmem:$0x1FE50];
	vm2 =	vnez.u8 v4  }
0x157: {  	s18 =	sadd.s32 $0x100, s18;
	v6 =	vld [tilespmem:$0x1FE60];
	v4 =	vsel vm2, $0x1, v0  }
0x158: {  	[tilespmem:s18+$0xFFFFFF80] =	vst v4;
	v4 =	vld [tilespmem:$0x1FE70];
	_ =	sdelay $0x1  }
0x159: {  	s30 =	sadd.s32 $0xFFFFFFF0, s24  }
0x15a: {  	v46 =	vor.u32 s30, v1;
	vm2 =	vnez.u8 v5  }
0x15b: {  	vm9 =	vlt.s32 v46, v2;
	v5 =	vsel vm2, $0x1, v0;
	vm2 =	vnez.u8 v6  }
0x15c: {  	vm0 =	vmand vm9, vm0;
	vm2 =	vmand vm9, vm2;
	vm9 =	vnez.u8 v4  }
0x15d: {  	v6 =	vld [tilespmem:$0x1FE80];
	v4 =	vsel vm9, $0x1, v0  }
0x15e: {  	[tilespmem:s18+$0xFFFFFF90] =	vst v4;
	v4 =	vld [tilespmem:$0x1FE90]  }
0x15f: {  	s19 =	sadd.s32 $0x100, s19;
	[tilespmem:s20+$0x30] =	vst v11;
	v9 =	vsel vm15, $0x1, v0;
	v11 =	vld [tilespmem:$0x1FEA0]  }
0x160: {  	[tilespmem:s19+$0xFFFFFF90] =	vst v9;
	v9 =	vld [tilespmem:$0x1FEB0];
	_ =	sdelay $0x1  }
0x161: {  	vm9 =	vnez.u8 v6  }
0x162: {  	[tilespmem:s20+$0x40] =	vst v10;
	v10 =	vsel vm9, $0x1, v0;
	vm9 =	vnez.u8 v4  }
0x163: {  	v4 =	vsel vm9, $0x1, v0;
	vm9 =	vnez.u8 v11  }
0x164: {  	v18 =	vsel vm9, $0x1, v0;
	vm9 =	vnez.u8 v9;
	v9 =	vld [tilespmem:$0x1FEC0];
	_ =	sdelay $0x4  }
0x165: {  	v17 =	vsel vm9, $0x1, v0;
	vm9 =	vnez.u8 v9;
	v9 =	vld [tilespmem:$0x1FED0];
	_ =	sdelay $0x4  }
0x166: {  	v16 =	vsel vm9, $0x1, v0;
	vm9 =	vnez.u8 v9;
	v9 =	vld [tilespmem:$0x1FEE0];
	_ =	sdelay $0x4  }
0x167: {  	v15 =	vsel vm9, $0x1, v0;
	vm9 =	vnez.u8 v9;
	v9 =	vld [tilespmem:$0x1FEF0]  }
0x168: {  	[tilespmem:s21+$0x0] =	vst v20  }
0x169: {  	[tilespmem:s20+$0x10] =	vst v21  }
0x16a: {  	[tilespmem:s20+$0x20] =	vst v24  }
0x16b: {  	[tilespmem:s21+$0x10] =	vst v22  }
0x16c: {  	s22 =	sadd.s32 $0x10, s22;
	[tilespmem:s21+$0x20] =	vst v25;
	v14 =	vsel vm9, $0x1, v0;
	vm9 =	vnez.u8 v9;
	v9 =	vld [tilespmem:$0x1FF00]  }
0x16d: {  	p0 =	slt.u32 s22, $0x70;
	[tilespmem:s21+$0x30] =	vst v12  }
.Ltmp1:
0x16e: {  	[tilespmem:s21+$0x40] =	vst v8;
	(pc) =	sbr.rel @p0 .LBB2_4-.Ltmp1, $4  }
0x16f: {  	[tilespmem:s18+$0x70] =	vst v32  }
0x170: {  	[tilespmem:s19+$0x70] =	vst v56;
	v8 =	vsel vm11, $0x1, v0  }
0x171: {  	v7 =	vsel vm13, $0x1, v0;
	[tilespmem:s19+$0xFFFFFF80] =	vst v5;
	v13 =	vsel vm9, $0x1, v0;
	vm9 =	vnez.u8 v9  }
0x172: {  	s20 =	smov.u32 s18;
	s23 =	sadd.s32 $0x100, s23;
	s21 =	smov.u32 s19;
	v5 =	vsel vm12, $0x1, v0;
	v6 =	vsel vm14, $0x1, v0;
	[tilespmem:s18+$0xFFFFFFA0] =	vst v10;
	v9 =	vsel vm9, $0x1, v0  }
0x173: {  	[tilespmem:s19+$0xFFFFFFA0] =	vst v8  }
0x174: {  	[tilespmem:s18+$0xFFFFFFB0] =	vst v7  }
0x175: {  	[tilespmem:s18+$0xFFFFFFC0] =	vst v4  }
0x176: {  	[tilespmem:s18+$0xFFFFFFD0] =	vst v18  }
0x177: {  	[tilespmem:s20+$0xFFFFFFE0] =	vst v16  }
0x178: {  	[tilespmem:s20+$0xFFFFFFF0] =	vst v14  }
0x179: {  	[tilespmem:s20+$0x0] =	vst v9  }
0x17a: {  	[tilespmem:s19+$0xFFFFFFB0] =	vst v6  }
0x17b: {  	[tilespmem:s19+$0xFFFFFFC0] =	vst v5  }
0x17c: {  	[tilespmem:s19+$0xFFFFFFD0] =	vst v17  }
0x17d: {  	[tilespmem:s21+$0xFFFFFFE0] =	vst v15  }
0x17e: {  	v2 =	vsel vm1, $0x1, v0;
	[tilespmem:s21+$0xFFFFFFF0] =	vst v13  }
0x17f: {  	v3 =	vsel vm3, $0x1, v0;
	[tilespmem:s21+$0x0] =	vst v2  }
0x180: {  	v2 =	vsel vm8, $0x1, v0;
	[tilespmem:s20+$0x10] =	vst v3  }
0x181: {  	v3 =	vsel vm4, $0x1, v0;
	[tilespmem:s21+$0x10] =	vst v2  }
0x182: {  	v2 =	vsel vm6, $0x1, v0;
	[tilespmem:s20+$0x20] =	vst v3  }
0x183: {  	v3 =	vsel vm10, $0x1, v0;
	[tilespmem:s21+$0x20] =	vst v2  }
0x184: {  	v2 =	vsel vm5, $0x1, v0;
	[tilespmem:s20+$0x30] =	vst v3  }
0x185: {  	v3 =	vld [tilespmem:$0x1FF10];
	[tilespmem:s21+$0x30] =	vst v2  }
0x186: {  	v2 =	vld [tilespmem:$0x1FF20];
	_ =	sdelay $0x3  }
0x187: {  	vm13 =	vnez.u8 v3  }
0x188: {  	v3 =	vsel vm13, $0x1, v0;
	vm14 =	vnez.u8 v2  }
0x189: {  	v2 =	vsel vm14, $0x1, v0;
	[tilespmem:s20+$0x40] =	vst v3  }
0x18a: {  	[tilespmem:s21+$0x40] =	vst v2  }
0x18b: {  	v2 =	vld [tilespmem:$0x1FF30];
	_ =	sdelay $0x3  }
0x18c: {  	v3 =	vsel vm7, $0x1, v0  }
0x18d: {  	[tilespmem:s20+$0x50] =	vst v3;
	v3 =	vsel vm0, $0x1, v0;
	vm15 =	vnez.u8 v2  }
0x18e: {  	[tilespmem:s20+$0x60] =	vst v3;
	v2 =	vsel vm15, $0x1, v0  }
0x18f: {  	[tilespmem:s21+$0x50] =	vst v2;
	v2 =	vsel vm2, $0x1, v0  }
0x190: {  	[tilespmem:s21+$0x60] =	vst v2  }
0x191: {  	[hbm4b:s6+s10] =	stream.strided.scatter [tilespmem:s15], [sflag:$0x2], $0x800, s11, s10, $0x38;
	[tilespmem:$0x2880] =	vst v63  }
0x192: {  	s17 =	sadd.s32 $0x1, s17;
	_ =	swait.ge [sflag:s13], $0x800  }
0x193: {  	p0 =	sne.s32 s17, s8;
	[sflag:s13] =	ssyncset.done $0x0  }
.Ltmp2:
0x194: {  	[sflag:s13] =	ssyncadd.s32 $0xFFFFF800;
	(pc) =	sbr.rel @p0 .LBB2_1-.Ltmp2, $4  }
0x195: {  	[hbm4b:s7+s10] =	stream.strided.scatter [tilespmem:s16], [sflag:$0x2], $0x800, s11, s10, $0x38;
	[tilespmem:$0x2880] =	vst v63  }
0x196: {  	_ =	swait.ge [sflag:s13], $0x800  }
0x197: {  	[sflag:s13] =	ssyncset.done $0x0  }
0x198: {  	[sflag:s13] =	ssyncadd.s32 $0xFFFFF800  }
0x199: {  	_ =	sfence.sel $0x180000  }
0x19a: {  	[bflag:$0x0] =	sbarrier.arrive $0xFFFF  }
0x19b: {  	_ =	strace $0x90000047  }
0x19c: {  	s0 =	stileid.u32;
	[bflag:$0x2] =	sbarrier.arrive $0xFFFF  }
0x19d: {  	p0 =	sne.s32 s0, $0x0;
	s0 =	rddreg [dreg:$0x2]  }
0x19e: {  	s0 =	sadd.s32 @!p0 $0x100000, s0  }
0x19f: {  	[sflag:s0] =	ssyncadd.tile.s32 @!p0 $0x1;
	_ =	shalt  }
.Lfunc_end2:
_tile_overlayer_lowered:
.L_overlay_start_2:
0x1a0: {  	(tag) =	ssettag $0x2  }
0x1a1: {  	s0 =	rddreg [dreg:$0x0];
	s2 =	stileid.u32  }
0x1a2: {  	s1 =	rddreg [dreg:$0x1];
	p0 =	sne.s32 s2, $0x0  }
0x1a3: {  	s3 =	rddreg [dreg:$0x2];
	[bflag:$0x3] =	sbarrier.arrive $0xFFFF;
	s2 =	simm.s32 @!p0 $0x1C02  }
0x1a4: {  	[timem:s3], [sflag:s2] =	dma.local @!p0 [hbm:s0], s1  }
0x1a5: {  	s0 =	simm.s32 @!p0 $0x2  }
0x1a6: {  	_ =	swait.ge @!p0 [sflag:s0], s1  }
0x1a7: {  	s1 =	ssub.s32 @!p0 $0x0, s1;
	[sflag:s0] =	ssyncset.done @!p0 $0x0  }
0x1a8: {  	[sflag:s0] =	ssyncadd.s32 @!p0 s1  }
0x1a9: {  	[bflag:$0x3] =	sbarrier.arrive $0xFFFF  }
0x1aa: {  	_ =	shalt  }

</sc_bundles>
